<compile_context>
chip_gen: v7x
topology: tpu7x:2x2x1
jax: 0.10.2.dev20260603
libtpu: 0.0.44.dev20260713+nightly
codegen_flags: <defaults>
</compile_context>

<pallas_src>
import functools

import jax
import jax.numpy as jnp
from jax import lax
from jax.experimental import pallas as pl
from jax.experimental.pallas import tpu as pltpu
from jax.experimental.pallas import tpu_sc as plsc

_MAX_VAL = 2097151
_NC = 2
_NS = 16
_NW = _NC * _NS
_L = 16
_NSUB = 4


@functools.lru_cache(maxsize=None)
def _build(n):
    assert n % (_NW * 4 * _L * _NSUB) == 0, n
    e_tile = n // _NW
    e_sub = e_tile // _NSUB

    mesh = plsc.VectorSubcoreMesh(
        core_axis_name="c", subcore_axis_name="s",
        num_cores=_NC, num_subcores=_NS,
    )
    cparams = pltpu.CompilerParams(needs_layout_passes=False)

    @functools.partial(
        pl.kernel,
        out_type=jax.ShapeDtypeStruct((_NW, _L), jnp.int32),
        mesh=mesh,
        scratch_types=[
            pltpu.VMEM((2, e_sub), jnp.int32),
            pltpu.VMEM((_L,), jnp.int32),
            pltpu.SemaphoreType.DMA,
            pltpu.SemaphoreType.DMA,
        ],
        compiler_params=cparams,
    )
    def _sums_kernel(mask_hbm, out_hbm, buf, outv, isem0, isem1):
        wid = lax.axis_index("c") * _NS + lax.axis_index("s")
        base = wid * e_tile
        isems = (isem0, isem1)

        def start_in(sub):
            cur = sub % 2
            return pltpu.async_copy(
                mask_hbm.at[pl.ds(base + sub * e_sub, e_sub)],
                buf.at[cur], isems[cur])

        in_h = {0: start_in(0)}
        acc = jnp.zeros((_L,), jnp.int32)
        for sub in range(_NSUB):
            cur = sub % 2
            if sub + 1 < _NSUB:
                in_h[sub + 1] = start_in(sub + 1)
            in_h.pop(sub).wait()

            def it(i, acc, cur=cur):
                a = buf[cur, pl.ds(i * 4 * _L, _L)]
                b = buf[cur, pl.ds((i * 4 + 1) * _L, _L)]
                c = buf[cur, pl.ds((i * 4 + 2) * _L, _L)]
                d = buf[cur, pl.ds((i * 4 + 3) * _L, _L)]
                return acc + ((a + b) + (c + d))

            acc = lax.fori_loop(0, e_sub // (4 * _L), it, acc)

        outv[...] = acc
        pltpu.sync_copy(outv, out_hbm.at[wid])

    @functools.partial(
        pl.kernel,
        out_type=jax.ShapeDtypeStruct((n,), jnp.int32),
        mesh=mesh,
        scratch_types=[
            pltpu.VMEM((e_sub,), jnp.int32),
            pltpu.VMEM((e_sub,), jnp.int32),
            pltpu.VMEM((_NW, _L), jnp.int32),
        ],
        compiler_params=cparams,
    )
    def _scan_kernel(mask_hbm, sums_hbm, out_hbm, mbuf, obuf, sums_v):
        wid = lax.axis_index("c") * _NS + lax.axis_index("s")
        base = wid * e_tile
        pltpu.sync_copy(sums_hbm, sums_v)

        def acc_row(wp, carryv):
            m = (wp < wid).astype(jnp.int32)
            return carryv + sums_v[wp] * m

        carry0 = lax.fori_loop(0, _NW, acc_row, jnp.zeros((_L,), jnp.int32))
        carry0 = jnp.sum(carry0) - 1

        def sub_body(sub, carry):
            pltpu.sync_copy(mask_hbm.at[pl.ds(base + sub * e_sub, e_sub)],
                            mbuf)

            def it(i, carry):
              for u in range(4):
                j = i * 4 + u
                v0 = mbuf[pl.ds(j * 4 * _L, _L)]
                v1 = mbuf[pl.ds((j * 4 + 1) * _L, _L)]
                v2 = mbuf[pl.ds((j * 4 + 2) * _L, _L)]
                v3 = mbuf[pl.ds((j * 4 + 3) * _L, _L)]
                packed = (v0 + (v1 << 8)) + ((v2 << 16) + (v3 << 24))
                incl = plsc.cumsum(packed)
                tv = jnp.sum(packed)
                cbef = tv * 0x01010100
                b0 = incl & 0xFF
                b1 = (incl >> 8) & 0xFF
                b2 = (incl >> 16) & 0xFF
                b3 = incl >> 24
                o0 = carry + b0
                o1 = (carry + ((cbef >> 8) & 0xFF)) + b1
                o2 = (carry + ((cbef >> 16) & 0xFF)) + b2
                o3 = (carry + (cbef >> 24)) + b3
                zero = jnp.int32(0)
                obuf[pl.ds(j * 4 * _L, _L)] = jnp.minimum(
                    jnp.maximum(o0, zero), _MAX_VAL)
                obuf[pl.ds((j * 4 + 1) * _L, _L)] = jnp.minimum(
                    jnp.maximum(o1, zero), _MAX_VAL)
                obuf[pl.ds((j * 4 + 2) * _L, _L)] = jnp.minimum(
                    jnp.maximum(o2, zero), _MAX_VAL)
                obuf[pl.ds((j * 4 + 3) * _L, _L)] = jnp.minimum(
                    jnp.maximum(o3, zero), _MAX_VAL)
                carry = carry + ((cbef >> 24) + (tv >> 24))
              return carry

            carry = lax.fori_loop(0, e_sub // (16 * _L), it, carry)
            pltpu.sync_copy(obuf, out_hbm.at[pl.ds(base + sub * e_sub, e_sub)])
            return carry

        lax.fori_loop(0, _NSUB, sub_body, carry0)

    def run(mask_i32):
        sums = _sums_kernel(mask_i32)
        return _scan_kernel(mask_i32, sums)

    return run


def kernel(mask_1d):
    n = mask_1d.shape[0]
    return _build(n)(mask_1d.astype(jnp.int32))

# --- scband reference (transcript-rebuilt; emitter-appended) ---
"""Pipeline reference for scband-op1-to4-pipeline-12678743457880 (READ-ONLY COPY).

The authoritative reference and input builder live on the scoring server;
editing this copy changes nothing except your own understanding.
"""

import jax, jax.numpy as jnp
import numpy as np

MAX_VAL = 2097151
N = 4194304

def setup_inputs(seed: int = 0) -> dict:
    key = jax.random.key(seed)
    mask_1d = jax.random.randint(key, (N,), 0, 2).astype(jnp.bool_)
    return {"mask_1d": mask_1d}

def reference(mask_1d):
    # Op1: cast to integer
    mask_i = mask_1d.astype(jnp.int32)
    # Op2+Op3: cumulative sum along dim 0, then subtract 1
    source_idx = jnp.cumsum(mask_i, axis=0) - 1
    # Op4: clamp to [0, max_val]
    source_idx = jnp.clip(source_idx, 0, MAX_VAL)
    return source_idx

if __name__ == "__main__":
    import jax
    _d = setup_inputs()
    print(jax.jit(kernel)(*tuple(_d.values())))

</pallas_src>

<mosaic_0001>
#map = affine_map<(d0, d1) -> (0)>
#map1 = affine_map<(d0, d1) -> (0, 0)>
module attributes {stable_mosaic.version = 14 : i64} {
  func.func @_scan_kernel(%arg0: i32, %arg1: i32, %arg2: memref<4194304xi32, #tpu.memory_space<hbm>>, %arg3: memref<32x16xi32, #tpu.memory_space<hbm>>, %arg4: memref<4194304xi32, #tpu.memory_space<hbm>>, %arg5: memref<32768xi32, #tpu.memory_space<vmem>>, %arg6: memref<32768xi32, #tpu.memory_space<vmem>>, %arg7: memref<32x16xi32, #tpu.memory_space<vmem>>) attributes {dimension_semantics = [#tpu.dimension_semantics<core_parallel>, #tpu.dimension_semantics<subcore_parallel>], iteration_bounds = array<i64: 2, 16>, scalar_prefetch = 0 : i64, scratch_operands = 3 : i64, tpu.core_type = #tpu.core_type<sc_vector_subcore>, window_params = [{transform_indices = #map}, {transform_indices = #map1}, {transform_indices = #map}]} {
    %mul3A = arith.constant 16 : i32
    %mul3A_0 = arith.muli %arg0, %mul3A : i32
    %add3A = arith.addi %mul3A_0, %arg1 : i32
    %mul3A_1 = arith.constant 131072 : i32
    %mul3A_2 = arith.muli %add3A, %mul3A_1 : i32
    "tpu.region"() ({
      %run_scoped3A = tpu.sem_alloc : memref<!tpu.dma_semaphore, #tpu.memory_space<semaphore_mem>>
      tpu.enqueue_dma source(%arg3 : memref<32x16xi32, #tpu.memory_space<hbm>>) target(%arg7 : memref<32x16xi32, #tpu.memory_space<vmem>>) target_semaphore(%run_scoped3A : memref<!tpu.dma_semaphore, #tpu.memory_space<semaphore_mem>>)
      tpu.wait_dma2 semaphore(%run_scoped3A : memref<!tpu.dma_semaphore, #tpu.memory_space<semaphore_mem>>) src(%arg3 : memref<32x16xi32, #tpu.memory_space<hbm>>) dst(%arg7 : memref<32x16xi32, #tpu.memory_space<vmem>>)
      tpu.yield
    }) : () -> ()
    %broadcast_in_dim3A = arith.constant 0 : i32
    %broadcast_in_dim3A_3 = vector.broadcast %broadcast_in_dim3A : i32 to vector<16xi32>
    %scan3A = arith.constant 0 : i32
    %scan3A_4 = arith.constant 32 : i32
    %scan3A_5 = arith.addi %scan3A, %scan3A_4 : i32
    %scan3A_6 = arith.constant 1 : i32
    %scan3A_7 = scf.for %scan3A_19 = %scan3A to %scan3A_5 step %scan3A_6 iter_args(%scan3A_20 = %broadcast_in_dim3A_3) -> (vector<16xi32>)  : i32 {
      %lt3A = arith.cmpi slt, %scan3A_19, %add3A : i32
      %convert_element_type3A = arith.extui %lt3A : i1 to i32
      %get3A = arith.index_cast %scan3A_19 : i32 to index
      %get3A_21 = arith.constant 0 : index
      %get3A_22 = tpu.vector_load %arg7[%get3A, %get3A_21] {strides = array<i32>} : memref<32x16xi32, #tpu.memory_space<vmem>>, vector<16xi32>,
      %mul3A_23 = vector.broadcast %convert_element_type3A : i32 to vector<16xi32>
      %mul3A_24 = arith.muli %get3A_22, %mul3A_23 : vector<16xi32>
      %add3A_25 = arith.addi %scan3A_20, %mul3A_24 : vector<16xi32>
      scf.yield %add3A_25 : vector<16xi32>
    }
    %scan3A_8 = arith.constant 32 : i32
    %reduce_sum3A = arith.constant true
    %reduce_sum3A_9 = vector.broadcast %reduce_sum3A : i1 to vector<16xi1>
    %reduce_sum3A_10 = tpu.scan <sum>, %scan3A_7 masked %reduce_sum3A_9 : vector<16xi32>, vector<16xi1> -> vector<16xi32>
    %reduce_sum3A_11 = vector.extract %reduce_sum3A_10[15] : i32 from vector<16xi32>
    %sub3A = arith.constant 1 : i32
    %sub3A_12 = arith.subi %reduce_sum3A_11, %sub3A : i32
    %scan3A_13 = arith.constant 0 : i32
    %scan3A_14 = arith.constant 4 : i32
    %scan3A_15 = arith.addi %scan3A_13, %scan3A_14 : i32
    %scan3A_16 = arith.constant 1 : i32
    %scan3A_17 = scf.for %scan3A_19 = %scan3A_13 to %scan3A_15 step %scan3A_16 iter_args(%scan3A_20 = %sub3A_12) -> (i32)  : i32 {
      %mul3A_21 = arith.constant 32768 : i32
      %mul3A_22 = arith.muli %scan3A_19, %mul3A_21 : i32
      %add3A_23 = arith.addi %mul3A_2, %mul3A_22 : i32
      "tpu.region"() ({
        %run_scoped3A = tpu.sem_alloc : memref<!tpu.dma_semaphore, #tpu.memory_space<semaphore_mem>>
        %dma_start3A = tpu.memref_slice %arg2[%add3A_23] : memref<4194304xi32, #tpu.memory_space<hbm>> -> memref<32768xi32, #tpu.memory_space<hbm>>
        %dma_start3A_33 = tpu.memref_slice %arg2[%add3A_23] : memref<4194304xi32, #tpu.memory_space<hbm>> -> memref<32768xi32, #tpu.memory_space<hbm>>
        tpu.enqueue_dma source(%dma_start3A_33 : memref<32768xi32, #tpu.memory_space<hbm>>) target(%arg5 : memref<32768xi32, #tpu.memory_space<vmem>>) target_semaphore(%run_scoped3A : memref<!tpu.dma_semaphore, #tpu.memory_space<semaphore_mem>>)
        %dma_wait3A = tpu.memref_slice %arg2[%add3A_23] : memref<4194304xi32, #tpu.memory_space<hbm>> -> memref<32768xi32, #tpu.memory_space<hbm>>
        %dma_wait3A_34 = tpu.memref_slice %arg2[%add3A_23] : memref<4194304xi32, #tpu.memory_space<hbm>> -> memref<32768xi32, #tpu.memory_space<hbm>>
        tpu.wait_dma2 semaphore(%run_scoped3A : memref<!tpu.dma_semaphore, #tpu.memory_space<semaphore_mem>>) src(%dma_wait3A_34 : memref<32768xi32, #tpu.memory_space<hbm>>) dst(%arg5 : memref<32768xi32, #tpu.memory_space<vmem>>)
        tpu.yield
      }) : () -> ()
      %scan3A_24 = arith.constant 0 : i32
      %scan3A_25 = arith.constant 128 : i32
      %scan3A_26 = arith.addi %scan3A_24, %scan3A_25 : i32
      %scan3A_27 = arith.constant 1 : i32
      %scan3A_28 = scf.for %scan3A_33 = %scan3A_24 to %scan3A_26 step %scan3A_27 iter_args(%scan3A_34 = %scan3A_20) -> (i32)  : i32 {
        %mul3A_35 = arith.constant 4 : i32
        %mul3A_36 = arith.muli %scan3A_33, %mul3A_35 : i32
        %add3A_37 = arith.constant 0 : i32
        %add3A_38 = arith.addi %mul3A_36, %add3A_37 : i32
        %mul3A_39 = arith.constant 4 : i32
        %mul3A_40 = arith.muli %add3A_38, %mul3A_39 : i32
        %mul3A_41 = arith.constant 16 : i32
        %mul3A_42 = arith.muli %mul3A_40, %mul3A_41 : i32
        %get3A = arith.index_cast %mul3A_42 : i32 to index
        %get3A_43 = tpu.vector_load %arg5[%get3A] {strides = array<i32>} : memref<32768xi32, #tpu.memory_space<vmem>>, vector<16xi32>,
        %mul3A_44 = arith.constant 4 : i32
        %mul3A_45 = arith.muli %add3A_38, %mul3A_44 : i32
        %add3A_46 = arith.constant 1 : i32
        %add3A_47 = arith.addi %mul3A_45, %add3A_46 : i32
        %mul3A_48 = arith.constant 16 : i32
        %mul3A_49 = arith.muli %add3A_47, %mul3A_48 : i32
        %get3A_50 = arith.index_cast %mul3A_49 : i32 to index
        %get3A_51 = tpu.vector_load %arg5[%get3A_50] {strides = array<i32>} : memref<32768xi32, #tpu.memory_space<vmem>>, vector<16xi32>,
        %mul3A_52 = arith.constant 4 : i32
        %mul3A_53 = arith.muli %add3A_38, %mul3A_52 : i32
        %add3A_54 = arith.constant 2 : i32
        %add3A_55 = arith.addi %mul3A_53, %add3A_54 : i32
        %mul3A_56 = arith.constant 16 : i32
        %mul3A_57 = arith.muli %add3A_55, %mul3A_56 : i32
        %get3A_58 = arith.index_cast %mul3A_57 : i32 to index
        %get3A_59 = tpu.vector_load %arg5[%get3A_58] {strides = array<i32>} : memref<32768xi32, #tpu.memory_space<vmem>>, vector<16xi32>,
        %mul3A_60 = arith.constant 4 : i32
        %mul3A_61 = arith.muli %add3A_38, %mul3A_60 : i32
        %add3A_62 = arith.constant 3 : i32
        %add3A_63 = arith.addi %mul3A_61, %add3A_62 : i32
        %mul3A_64 = arith.constant 16 : i32
        %mul3A_65 = arith.muli %add3A_63, %mul3A_64 : i32
        %get3A_66 = arith.index_cast %mul3A_65 : i32 to index
        %get3A_67 = tpu.vector_load %arg5[%get3A_66] {strides = array<i32>} : memref<32768xi32, #tpu.memory_space<vmem>>, vector<16xi32>,
        %shift_left3A = arith.constant 8 : i32
        %shift_left3A_68 = vector.broadcast %shift_left3A : i32 to vector<16xi32>
        %shift_left3A_69 = arith.shli %get3A_51, %shift_left3A_68 : vector<16xi32>
        %add3A_70 = arith.addi %get3A_43, %shift_left3A_69 : vector<16xi32>
        %shift_left3A_71 = arith.constant 16 : i32
        %shift_left3A_72 = vector.broadcast %shift_left3A_71 : i32 to vector<16xi32>
        %shift_left3A_73 = arith.shli %get3A_59, %shift_left3A_72 : vector<16xi32>
        %shift_left3A_74 = arith.constant 24 : i32
        %shift_left3A_75 = vector.broadcast %shift_left3A_74 : i32 to vector<16xi32>
        %shift_left3A_76 = arith.shli %get3A_67, %shift_left3A_75 : vector<16xi32>
        %add3A_77 = arith.addi %shift_left3A_73, %shift_left3A_76 : vector<16xi32>
        %add3A_78 = arith.addi %add3A_70, %add3A_77 : vector<16xi32>
        %broadcast_in_dim3A_79 = arith.constant true
        %broadcast_in_dim3A_80 = vector.broadcast %broadcast_in_dim3A_79 : i1 to vector<16xi1>
        %masked_cumsum3A = tpu.scan <sum>, %add3A_78 masked %broadcast_in_dim3A_80 : vector<16xi32>, vector<16xi1> -> vector<16xi32>
        %reduce_sum3A_81 = arith.constant true
        %reduce_sum3A_82 = vector.broadcast %reduce_sum3A_81 : i1 to vector<16xi1>
        %reduce_sum3A_83 = tpu.scan <sum>, %add3A_78 masked %reduce_sum3A_82 : vector<16xi32>, vector<16xi1> -> vector<16xi32>
        %reduce_sum3A_84 = vector.extract %reduce_sum3A_83[15] : i32 from vector<16xi32>
        %mul3A_85 = arith.constant 16843008 : i32
        %mul3A_86 = arith.muli %reduce_sum3A_84, %mul3A_85 : i32
        %and3A = arith.constant 255 : i32
        %and3A_87 = vector.broadcast %and3A : i32 to vector<16xi32>
        %and3A_88 = arith.andi %masked_cumsum3A, %and3A_87 : vector<16xi32>
        %shift_right_arithmetic3A = arith.constant 8 : i32
        %shift_right_arithmetic3A_89 = vector.broadcast %shift_right_arithmetic3A : i32 to vector<16xi32>
        %shift_right_arithmetic3A_90 = arith.shrsi %masked_cumsum3A, %shift_right_arithmetic3A_89 : vector<16xi32>
        %and3A_91 = arith.constant 255 : i32
        %and3A_92 = vector.broadcast %and3A_91 : i32 to vector<16xi32>
        %and3A_93 = arith.andi %shift_right_arithmetic3A_90, %and3A_92 : vector<16xi32>
        %shift_right_arithmetic3A_94 = arith.constant 16 : i32
        %shift_right_arithmetic3A_95 = vector.broadcast %shift_right_arithmetic3A_94 : i32 to vector<16xi32>
        %shift_right_arithmetic3A_96 = arith.shrsi %masked_cumsum3A, %shift_right_arithmetic3A_95 : vector<16xi32>
        %and3A_97 = arith.constant 255 : i32
        %and3A_98 = vector.broadcast %and3A_97 : i32 to vector<16xi32>
        %and3A_99 = arith.andi %shift_right_arithmetic3A_96, %and3A_98 : vector<16xi32>
        %shift_right_arithmetic3A_100 = arith.constant 24 : i32
        %shift_right_arithmetic3A_101 = vector.broadcast %shift_right_arithmetic3A_100 : i32 to vector<16xi32>
        %shift_right_arithmetic3A_102 = arith.shrsi %masked_cumsum3A, %shift_right_arithmetic3A_101 : vector<16xi32>
        %add3A_103 = vector.broadcast %scan3A_34 : i32 to vector<16xi32>
        %add3A_104 = arith.addi %add3A_103, %and3A_88 : vector<16xi32>
        %shift_right_arithmetic3A_105 = arith.constant 8 : i32
        %shift_right_arithmetic3A_106 = arith.shrsi %mul3A_86, %shift_right_arithmetic3A_105 : i32
        %and3A_107 = arith.constant 255 : i32
        %and3A_108 = arith.andi %shift_right_arithmetic3A_106, %and3A_107 : i32
        %add3A_109 = arith.addi %scan3A_34, %and3A_108 : i32
        %add3A_110 = vector.broadcast %add3A_109 : i32 to vector<16xi32>
        %add3A_111 = arith.addi %add3A_110, %and3A_93 : vector<16xi32>
        %shift_right_arithmetic3A_112 = arith.constant 16 : i32
        %shift_right_arithmetic3A_113 = arith.shrsi %mul3A_86, %shift_right_arithmetic3A_112 : i32
        %and3A_114 = arith.constant 255 : i32
        %and3A_115 = arith.andi %shift_right_arithmetic3A_113, %and3A_114 : i32
        %add3A_116 = arith.addi %scan3A_34, %and3A_115 : i32
        %add3A_117 = vector.broadcast %add3A_116 : i32 to vector<16xi32>
        %add3A_118 = arith.addi %add3A_117, %and3A_99 : vector<16xi32>
        %shift_right_arithmetic3A_119 = arith.constant 24 : i32
        %shift_right_arithmetic3A_120 = arith.shrsi %mul3A_86, %shift_right_arithmetic3A_119 : i32
        %add3A_121 = arith.addi %scan3A_34, %shift_right_arithmetic3A_120 : i32
        %add3A_122 = vector.broadcast %add3A_121 : i32 to vector<16xi32>
        %add3A_123 = arith.addi %add3A_122, %shift_right_arithmetic3A_102 : vector<16xi32>
        %max3A = arith.constant 0 : i32
        %max3A_124 = vector.broadcast %max3A : i32 to vector<16xi32>
        %max3A_125 = arith.maxsi %add3A_104, %max3A_124 : vector<16xi32>
        %min3A = arith.constant 2097151 : i32
        %min3A_126 = vector.broadcast %min3A : i32 to vector<16xi32>
        %min3A_127 = arith.minsi %max3A_125, %min3A_126 : vector<16xi32>
        %mul3A_128 = arith.constant 4 : i32
        %mul3A_129 = arith.muli %add3A_38, %mul3A_128 : i32
        %mul3A_130 = arith.constant 16 : i32
        %mul3A_131 = arith.muli %mul3A_129, %mul3A_130 : i32
        %swap3A = arith.index_cast %mul3A_131 : i32 to index
        %swap3A_132 = tpu.vector_load %arg6[%swap3A] {strides = array<i32>} : memref<32768xi32, #tpu.memory_space<vmem>>, vector<16xi32>,
        tpu.vector_store %arg6[%swap3A], %min3A_127 {strides = array<i32>} : memref<32768xi32, #tpu.memory_space<vmem>>, vector<16xi32>,
        %max3A_133 = arith.constant 0 : i32
        %max3A_134 = vector.broadcast %max3A_133 : i32 to vector<16xi32>
        %max3A_135 = arith.maxsi %add3A_111, %max3A_134 : vector<16xi32>
        %min3A_136 = arith.constant 2097151 : i32
        %min3A_137 = vector.broadcast %min3A_136 : i32 to vector<16xi32>
        %min3A_138 = arith.minsi %max3A_135, %min3A_137 : vector<16xi32>
        %mul3A_139 = arith.constant 4 : i32
        %mul3A_140 = arith.muli %add3A_38, %mul3A_139 : i32
        %add3A_141 = arith.constant 1 : i32
        %add3A_142 = arith.addi %mul3A_140, %add3A_141 : i32
        %mul3A_143 = arith.constant 16 : i32
        %mul3A_144 = arith.muli %add3A_142, %mul3A_143 : i32
        %swap3A_145 = arith.index_cast %mul3A_144 : i32 to index
        %swap3A_146 = tpu.vector_load %arg6[%swap3A_145] {strides = array<i32>} : memref<32768xi32, #tpu.memory_space<vmem>>, vector<16xi32>,
        tpu.vector_store %arg6[%swap3A_145], %min3A_138 {strides = array<i32>} : memref<32768xi32, #tpu.memory_space<vmem>>, vector<16xi32>,
        %max3A_147 = arith.constant 0 : i32
        %max3A_148 = vector.broadcast %max3A_147 : i32 to vector<16xi32>
        %max3A_149 = arith.maxsi %add3A_118, %max3A_148 : vector<16xi32>
        %min3A_150 = arith.constant 2097151 : i32
        %min3A_151 = vector.broadcast %min3A_150 : i32 to vector<16xi32>
        %min3A_152 = arith.minsi %max3A_149, %min3A_151 : vector<16xi32>
        %mul3A_153 = arith.constant 4 : i32
        %mul3A_154 = arith.muli %add3A_38, %mul3A_153 : i32
        %add3A_155 = arith.constant 2 : i32
        %add3A_156 = arith.addi %mul3A_154, %add3A_155 : i32
        %mul3A_157 = arith.constant 16 : i32
        %mul3A_158 = arith.muli %add3A_156, %mul3A_157 : i32
        %swap3A_159 = arith.index_cast %mul3A_158 : i32 to index
        %swap3A_160 = tpu.vector_load %arg6[%swap3A_159] {strides = array<i32>} : memref<32768xi32, #tpu.memory_space<vmem>>, vector<16xi32>,
        tpu.vector_store %arg6[%swap3A_159], %min3A_152 {strides = array<i32>} : memref<32768xi32, #tpu.memory_space<vmem>>, vector<16xi32>,
        %max3A_161 = arith.constant 0 : i32
        %max3A_162 = vector.broadcast %max3A_161 : i32 to vector<16xi32>
        %max3A_163 = arith.maxsi %add3A_123, %max3A_162 : vector<16xi32>
        %min3A_164 = arith.constant 2097151 : i32
        %min3A_165 = vector.broadcast %min3A_164 : i32 to vector<16xi32>
        %min3A_166 = arith.minsi %max3A_163, %min3A_165 : vector<16xi32>
        %mul3A_167 = arith.constant 4 : i32
        %mul3A_168 = arith.muli %add3A_38, %mul3A_167 : i32
        %add3A_169 = arith.constant 3 : i32
        %add3A_170 = arith.addi %mul3A_168, %add3A_169 : i32
        %mul3A_171 = arith.constant 16 : i32
        %mul3A_172 = arith.muli %add3A_170, %mul3A_171 : i32
        %swap3A_173 = arith.index_cast %mul3A_172 : i32 to index
        %swap3A_174 = tpu.vector_load %arg6[%swap3A_173] {strides = array<i32>} : memref<32768xi32, #tpu.memory_space<vmem>>, vector<16xi32>,
        tpu.vector_store %arg6[%swap3A_173], %min3A_166 {strides = array<i32>} : memref<32768xi32, #tpu.memory_space<vmem>>, vector<16xi32>,
        %shift_right_arithmetic3A_175 = arith.constant 24 : i32
        %shift_right_arithmetic3A_176 = arith.shrsi %mul3A_86, %shift_right_arithmetic3A_175 : i32
        %shift_right_arithmetic3A_177 = arith.constant 24 : i32
        %shift_right_arithmetic3A_178 = arith.shrsi %reduce_sum3A_84, %shift_right_arithmetic3A_177 : i32
        %add3A_179 = arith.addi %shift_right_arithmetic3A_176, %shift_right_arithmetic3A_178 : i32
        %add3A_180 = arith.addi %scan3A_34, %add3A_179 : i32
        %mul3A_181 = arith.constant 4 : i32
        %mul3A_182 = arith.muli %scan3A_33, %mul3A_181 : i32
        %add3A_183 = arith.constant 1 : i32
        %add3A_184 = arith.addi %mul3A_182, %add3A_183 : i32
        %mul3A_185 = arith.constant 4 : i32
        %mul3A_186 = arith.muli %add3A_184, %mul3A_185 : i32
        %mul3A_187 = arith.constant 16 : i32
        %mul3A_188 = arith.muli %mul3A_186, %mul3A_187 : i32
        %get3A_189 = arith.index_cast %mul3A_188 : i32 to index
        %get3A_190 = tpu.vector_load %arg5[%get3A_189] {strides = array<i32>} : memref<32768xi32, #tpu.memory_space<vmem>>, vector<16xi32>,
        %mul3A_191 = arith.constant 4 : i32
        %mul3A_192 = arith.muli %add3A_184, %mul3A_191 : i32
        %add3A_193 = arith.constant 1 : i32
        %add3A_194 = arith.addi %mul3A_192, %add3A_193 : i32
        %mul3A_195 = arith.constant 16 : i32
        %mul3A_196 = arith.muli %add3A_194, %mul3A_195 : i32
        %get3A_197 = arith.index_cast %mul3A_196 : i32 to index
        %get3A_198 = tpu.vector_load %arg5[%get3A_197] {strides = array<i32>} : memref<32768xi32, #tpu.memory_space<vmem>>, vector<16xi32>,
        %mul3A_199 = arith.constant 4 : i32
        %mul3A_200 = arith.muli %add3A_184, %mul3A_199 : i32
        %add3A_201 = arith.constant 2 : i32
        %add3A_202 = arith.addi %mul3A_200, %add3A_201 : i32
        %mul3A_203 = arith.constant 16 : i32
        %mul3A_204 = arith.muli %add3A_202, %mul3A_203 : i32
        %get3A_205 = arith.index_cast %mul3A_204 : i32 to index
        %get3A_206 = tpu.vector_load %arg5[%get3A_205] {strides = array<i32>} : memref<32768xi32, #tpu.memory_space<vmem>>, vector<16xi32>,
        %mul3A_207 = arith.constant 4 : i32
        %mul3A_208 = arith.muli %add3A_184, %mul3A_207 : i32
        %add3A_209 = arith.constant 3 : i32
        %add3A_210 = arith.addi %mul3A_208, %add3A_209 : i32
        %mul3A_211 = arith.constant 16 : i32
        %mul3A_212 = arith.muli %add3A_210, %mul3A_211 : i32
        %get3A_213 = arith.index_cast %mul3A_212 : i32 to index
        %get3A_214 = tpu.vector_load %arg5[%get3A_213] {strides = array<i32>} : memref<32768xi32, #tpu.memory_space<vmem>>, vector<16xi32>,
        %shift_left3A_215 = arith.constant 8 : i32
        %shift_left3A_216 = vector.broadcast %shift_left3A_215 : i32 to vector<16xi32>
        %shift_left3A_217 = arith.shli %get3A_198, %shift_left3A_216 : vector<16xi32>
        %add3A_218 = arith.addi %get3A_190, %shift_left3A_217 : vector<16xi32>
        %shift_left3A_219 = arith.constant 16 : i32
        %shift_left3A_220 = vector.broadcast %shift_left3A_219 : i32 to vector<16xi32>
        %shift_left3A_221 = arith.shli %get3A_206, %shift_left3A_220 : vector<16xi32>
        %shift_left3A_222 = arith.constant 24 : i32
        %shift_left3A_223 = vector.broadcast %shift_left3A_222 : i32 to vector<16xi32>
        %shift_left3A_224 = arith.shli %get3A_214, %shift_left3A_223 : vector<16xi32>
        %add3A_225 = arith.addi %shift_left3A_221, %shift_left3A_224 : vector<16xi32>
        %add3A_226 = arith.addi %add3A_218, %add3A_225 : vector<16xi32>
        %broadcast_in_dim3A_227 = arith.constant true
        %broadcast_in_dim3A_228 = vector.broadcast %broadcast_in_dim3A_227 : i1 to vector<16xi1>
        %masked_cumsum3A_229 = tpu.scan <sum>, %add3A_226 masked %broadcast_in_dim3A_228 : vector<16xi32>, vector<16xi1> -> vector<16xi32>
        %reduce_sum3A_230 = arith.constant true
        %reduce_sum3A_231 = vector.broadcast %reduce_sum3A_230 : i1 to vector<16xi1>
        %reduce_sum3A_232 = tpu.scan <sum>, %add3A_226 masked %reduce_sum3A_231 : vector<16xi32>, vector<16xi1> -> vector<16xi32>
        %reduce_sum3A_233 = vector.extract %reduce_sum3A_232[15] : i32 from vector<16xi32>
        %mul3A_234 = arith.constant 16843008 : i32
        %mul3A_235 = arith.muli %reduce_sum3A_233, %mul3A_234 : i32
        %and3A_236 = arith.constant 255 : i32
        %and3A_237 = vector.broadcast %and3A_236 : i32 to vector<16xi32>
        %and3A_238 = arith.andi %masked_cumsum3A_229, %and3A_237 : vector<16xi32>
        %shift_right_arithmetic3A_239 = arith.constant 8 : i32
        %shift_right_arithmetic3A_240 = vector.broadcast %shift_right_arithmetic3A_239 : i32 to vector<16xi32>
        %shift_right_arithmetic3A_241 = arith.shrsi %masked_cumsum3A_229, %shift_right_arithmetic3A_240 : vector<16xi32>
        %and3A_242 = arith.constant 255 : i32
        %and3A_243 = vector.broadcast %and3A_242 : i32 to vector<16xi32>
        %and3A_244 = arith.andi %shift_right_arithmetic3A_241, %and3A_243 : vector<16xi32>
        %shift_right_arithmetic3A_245 = arith.constant 16 : i32
        %shift_right_arithmetic3A_246 = vector.broadcast %shift_right_arithmetic3A_245 : i32 to vector<16xi32>
        %shift_right_arithmetic3A_247 = arith.shrsi %masked_cumsum3A_229, %shift_right_arithmetic3A_246 : vector<16xi32>
        %and3A_248 = arith.constant 255 : i32
        %and3A_249 = vector.broadcast %and3A_248 : i32 to vector<16xi32>
        %and3A_250 = arith.andi %shift_right_arithmetic3A_247, %and3A_249 : vector<16xi32>
        %shift_right_arithmetic3A_251 = arith.constant 24 : i32
        %shift_right_arithmetic3A_252 = vector.broadcast %shift_right_arithmetic3A_251 : i32 to vector<16xi32>
        %shift_right_arithmetic3A_253 = arith.shrsi %masked_cumsum3A_229, %shift_right_arithmetic3A_252 : vector<16xi32>
        %add3A_254 = vector.broadcast %add3A_180 : i32 to vector<16xi32>
        %add3A_255 = arith.addi %add3A_254, %and3A_238 : vector<16xi32>
        %shift_right_arithmetic3A_256 = arith.constant 8 : i32
        %shift_right_arithmetic3A_257 = arith.shrsi %mul3A_235, %shift_right_arithmetic3A_256 : i32
        %and3A_258 = arith.constant 255 : i32
        %and3A_259 = arith.andi %shift_right_arithmetic3A_257, %and3A_258 : i32
        %add3A_260 = arith.addi %add3A_180, %and3A_259 : i32
        %add3A_261 = vector.broadcast %add3A_260 : i32 to vector<16xi32>
        %add3A_262 = arith.addi %add3A_261, %and3A_244 : vector<16xi32>
        %shift_right_arithmetic3A_263 = arith.constant 16 : i32
        %shift_right_arithmetic3A_264 = arith.shrsi %mul3A_235, %shift_right_arithmetic3A_263 : i32
        %and3A_265 = arith.constant 255 : i32
        %and3A_266 = arith.andi %shift_right_arithmetic3A_264, %and3A_265 : i32
        %add3A_267 = arith.addi %add3A_180, %and3A_266 : i32
        %add3A_268 = vector.broadcast %add3A_267 : i32 to vector<16xi32>
        %add3A_269 = arith.addi %add3A_268, %and3A_250 : vector<16xi32>
        %shift_right_arithmetic3A_270 = arith.constant 24 : i32
        %shift_right_arithmetic3A_271 = arith.shrsi %mul3A_235, %shift_right_arithmetic3A_270 : i32
        %add3A_272 = arith.addi %add3A_180, %shift_right_arithmetic3A_271 : i32
        %add3A_273 = vector.broadcast %add3A_272 : i32 to vector<16xi32>
        %add3A_274 = arith.addi %add3A_273, %shift_right_arithmetic3A_253 : vector<16xi32>
        %max3A_275 = arith.constant 0 : i32
        %max3A_276 = vector.broadcast %max3A_275 : i32 to vector<16xi32>
        %max3A_277 = arith.maxsi %add3A_255, %max3A_276 : vector<16xi32>
        %min3A_278 = arith.constant 2097151 : i32
        %min3A_279 = vector.broadcast %min3A_278 : i32 to vector<16xi32>
        %min3A_280 = arith.minsi %max3A_277, %min3A_279 : vector<16xi32>
        %mul3A_281 = arith.constant 4 : i32
        %mul3A_282 = arith.muli %add3A_184, %mul3A_281 : i32
        %mul3A_283 = arith.constant 16 : i32
        %mul3A_284 = arith.muli %mul3A_282, %mul3A_283 : i32
        %swap3A_285 = arith.index_cast %mul3A_284 : i32 to index
        %swap3A_286 = tpu.vector_load %arg6[%swap3A_285] {strides = array<i32>} : memref<32768xi32, #tpu.memory_space<vmem>>, vector<16xi32>,
        tpu.vector_store %arg6[%swap3A_285], %min3A_280 {strides = array<i32>} : memref<32768xi32, #tpu.memory_space<vmem>>, vector<16xi32>,
        %max3A_287 = arith.constant 0 : i32
        %max3A_288 = vector.broadcast %max3A_287 : i32 to vector<16xi32>
        %max3A_289 = arith.maxsi %add3A_262, %max3A_288 : vector<16xi32>
        %min3A_290 = arith.constant 2097151 : i32
        %min3A_291 = vector.broadcast %min3A_290 : i32 to vector<16xi32>
        %min3A_292 = arith.minsi %max3A_289, %min3A_291 : vector<16xi32>
        %mul3A_293 = arith.constant 4 : i32
        %mul3A_294 = arith.muli %add3A_184, %mul3A_293 : i32
        %add3A_295 = arith.constant 1 : i32
        %add3A_296 = arith.addi %mul3A_294, %add3A_295 : i32
        %mul3A_297 = arith.constant 16 : i32
        %mul3A_298 = arith.muli %add3A_296, %mul3A_297 : i32
        %swap3A_299 = arith.index_cast %mul3A_298 : i32 to index
        %swap3A_300 = tpu.vector_load %arg6[%swap3A_299] {strides = array<i32>} : memref<32768xi32, #tpu.memory_space<vmem>>, vector<16xi32>,
        tpu.vector_store %arg6[%swap3A_299], %min3A_292 {strides = array<i32>} : memref<32768xi32, #tpu.memory_space<vmem>>, vector<16xi32>,
        %max3A_301 = arith.constant 0 : i32
        %max3A_302 = vector.broadcast %max3A_301 : i32 to vector<16xi32>
        %max3A_303 = arith.maxsi %add3A_269, %max3A_302 : vector<16xi32>
        %min3A_304 = arith.constant 2097151 : i32
        %min3A_305 = vector.broadcast %min3A_304 : i32 to vector<16xi32>
        %min3A_306 = arith.minsi %max3A_303, %min3A_305 : vector<16xi32>
        %mul3A_307 = arith.constant 4 : i32
        %mul3A_308 = arith.muli %add3A_184, %mul3A_307 : i32
        %add3A_309 = arith.constant 2 : i32
        %add3A_310 = arith.addi %mul3A_308, %add3A_309 : i32
        %mul3A_311 = arith.constant 16 : i32
        %mul3A_312 = arith.muli %add3A_310, %mul3A_311 : i32
        %swap3A_313 = arith.index_cast %mul3A_312 : i32 to index
        %swap3A_314 = tpu.vector_load %arg6[%swap3A_313] {strides = array<i32>} : memref<32768xi32, #tpu.memory_space<vmem>>, vector<16xi32>,
        tpu.vector_store %arg6[%swap3A_313], %min3A_306 {strides = array<i32>} : memref<32768xi32, #tpu.memory_space<vmem>>, vector<16xi32>,
        %max3A_315 = arith.constant 0 : i32
        %max3A_316 = vector.broadcast %max3A_315 : i32 to vector<16xi32>
        %max3A_317 = arith.maxsi %add3A_274, %max3A_316 : vector<16xi32>
        %min3A_318 = arith.constant 2097151 : i32
        %min3A_319 = vector.broadcast %min3A_318 : i32 to vector<16xi32>
        %min3A_320 = arith.minsi %max3A_317, %min3A_319 : vector<16xi32>
        %mul3A_321 = arith.constant 4 : i32
        %mul3A_322 = arith.muli %add3A_184, %mul3A_321 : i32
        %add3A_323 = arith.constant 3 : i32
        %add3A_324 = arith.addi %mul3A_322, %add3A_323 : i32
        %mul3A_325 = arith.constant 16 : i32
        %mul3A_326 = arith.muli %add3A_324, %mul3A_325 : i32
        %swap3A_327 = arith.index_cast %mul3A_326 : i32 to index
        %swap3A_328 = tpu.vector_load %arg6[%swap3A_327] {strides = array<i32>} : memref<32768xi32, #tpu.memory_space<vmem>>, vector<16xi32>,
        tpu.vector_store %arg6[%swap3A_327], %min3A_320 {strides = array<i32>} : memref<32768xi32, #tpu.memory_space<vmem>>, vector<16xi32>,
        %shift_right_arithmetic3A_329 = arith.constant 24 : i32
        %shift_right_arithmetic3A_330 = arith.shrsi %mul3A_235, %shift_right_arithmetic3A_329 : i32
        %shift_right_arithmetic3A_331 = arith.constant 24 : i32
        %shift_right_arithmetic3A_332 = arith.shrsi %reduce_sum3A_233, %shift_right_arithmetic3A_331 : i32
        %add3A_333 = arith.addi %shift_right_arithmetic3A_330, %shift_right_arithmetic3A_332 : i32
        %add3A_334 = arith.addi %add3A_180, %add3A_333 : i32
        %mul3A_335 = arith.constant 4 : i32
        %mul3A_336 = arith.muli %scan3A_33, %mul3A_335 : i32
        %add3A_337 = arith.constant 2 : i32
        %add3A_338 = arith.addi %mul3A_336, %add3A_337 : i32
        %mul3A_339 = arith.constant 4 : i32
        %mul3A_340 = arith.muli %add3A_338, %mul3A_339 : i32
        %mul3A_341 = arith.constant 16 : i32
        %mul3A_342 = arith.muli %mul3A_340, %mul3A_341 : i32
        %get3A_343 = arith.index_cast %mul3A_342 : i32 to index
        %get3A_344 = tpu.vector_load %arg5[%get3A_343] {strides = array<i32>} : memref<32768xi32, #tpu.memory_space<vmem>>, vector<16xi32>,
        %mul3A_345 = arith.constant 4 : i32
        %mul3A_346 = arith.muli %add3A_338, %mul3A_345 : i32
        %add3A_347 = arith.constant 1 : i32
        %add3A_348 = arith.addi %mul3A_346, %add3A_347 : i32
        %mul3A_349 = arith.constant 16 : i32
        %mul3A_350 = arith.muli %add3A_348, %mul3A_349 : i32
        %get3A_351 = arith.index_cast %mul3A_350 : i32 to index
        %get3A_352 = tpu.vector_load %arg5[%get3A_351] {strides = array<i32>} : memref<32768xi32, #tpu.memory_space<vmem>>, vector<16xi32>,
        %mul3A_353 = arith.constant 4 : i32
        %mul3A_354 = arith.muli %add3A_338, %mul3A_353 : i32
        %add3A_355 = arith.constant 2 : i32
        %add3A_356 = arith.addi %mul3A_354, %add3A_355 : i32
        %mul3A_357 = arith.constant 16 : i32
        %mul3A_358 = arith.muli %add3A_356, %mul3A_357 : i32
        %get3A_359 = arith.index_cast %mul3A_358 : i32 to index
        %get3A_360 = tpu.vector_load %arg5[%get3A_359] {strides = array<i32>} : memref<32768xi32, #tpu.memory_space<vmem>>, vector<16xi32>,
        %mul3A_361 = arith.constant 4 : i32
        %mul3A_362 = arith.muli %add3A_338, %mul3A_361 : i32
        %add3A_363 = arith.constant 3 : i32
        %add3A_364 = arith.addi %mul3A_362, %add3A_363 : i32
        %mul3A_365 = arith.constant 16 : i32
        %mul3A_366 = arith.muli %add3A_364, %mul3A_365 : i32
        %get3A_367 = arith.index_cast %mul3A_366 : i32 to index
        %get3A_368 = tpu.vector_load %arg5[%get3A_367] {strides = array<i32>} : memref<32768xi32, #tpu.memory_space<vmem>>, vector<16xi32>,
        %shift_left3A_369 = arith.constant 8 : i32
        %shift_left3A_370 = vector.broadcast %shift_left3A_369 : i32 to vector<16xi32>
        %shift_left3A_371 = arith.shli %get3A_352, %shift_left3A_370 : vector<16xi32>
        %add3A_372 = arith.addi %get3A_344, %shift_left3A_371 : vector<16xi32>
        %shift_left3A_373 = arith.constant 16 : i32
        %shift_left3A_374 = vector.broadcast %shift_left3A_373 : i32 to vector<16xi32>
        %shift_left3A_375 = arith.shli %get3A_360, %shift_left3A_374 : vector<16xi32>
        %shift_left3A_376 = arith.constant 24 : i32
        %shift_left3A_377 = vector.broadcast %shift_left3A_376 : i32 to vector<16xi32>
        %shift_left3A_378 = arith.shli %get3A_368, %shift_left3A_377 : vector<16xi32>
        %add3A_379 = arith.addi %shift_left3A_375, %shift_left3A_378 : vector<16xi32>
        %add3A_380 = arith.addi %add3A_372, %add3A_379 : vector<16xi32>
        %broadcast_in_dim3A_381 = arith.constant true
        %broadcast_in_dim3A_382 = vector.broadcast %broadcast_in_dim3A_381 : i1 to vector<16xi1>
        %masked_cumsum3A_383 = tpu.scan <sum>, %add3A_380 masked %broadcast_in_dim3A_382 : vector<16xi32>, vector<16xi1> -> vector<16xi32>
        %reduce_sum3A_384 = arith.constant true
        %reduce_sum3A_385 = vector.broadcast %reduce_sum3A_384 : i1 to vector<16xi1>
        %reduce_sum3A_386 = tpu.scan <sum>, %add3A_380 masked %reduce_sum3A_385 : vector<16xi32>, vector<16xi1> -> vector<16xi32>
        %reduce_sum3A_387 = vector.extract %reduce_sum3A_386[15] : i32 from vector<16xi32>
        %mul3A_388 = arith.constant 16843008 : i32
        %mul3A_389 = arith.muli %reduce_sum3A_387, %mul3A_388 : i32
        %and3A_390 = arith.constant 255 : i32
        %and3A_391 = vector.broadcast %and3A_390 : i32 to vector<16xi32>
        %and3A_392 = arith.andi %masked_cumsum3A_383, %and3A_391 : vector<16xi32>
        %shift_right_arithmetic3A_393 = arith.constant 8 : i32
        %shift_right_arithmetic3A_394 = vector.broadcast %shift_right_arithmetic3A_393 : i32 to vector<16xi32>
        %shift_right_arithmetic3A_395 = arith.shrsi %masked_cumsum3A_383, %shift_right_arithmetic3A_394 : vector<16xi32>
        %and3A_396 = arith.constant 255 : i32
        %and3A_397 = vector.broadcast %and3A_396 : i32 to vector<16xi32>
        %and3A_398 = arith.andi %shift_right_arithmetic3A_395, %and3A_397 : vector<16xi32>
        %shift_right_arithmetic3A_399 = arith.constant 16 : i32
        %shift_right_arithmetic3A_400 = vector.broadcast %shift_right_arithmetic3A_399 : i32 to vector<16xi32>
        %shift_right_arithmetic3A_401 = arith.shrsi %masked_cumsum3A_383, %shift_right_arithmetic3A_400 : vector<16xi32>
        %and3A_402 = arith.constant 255 : i32
        %and3A_403 = vector.broadcast %and3A_402 : i32 to vector<16xi32>
        %and3A_404 = arith.andi %shift_right_arithmetic3A_401, %and3A_403 : vector<16xi32>
        %shift_right_arithmetic3A_405 = arith.constant 24 : i32
        %shift_right_arithmetic3A_406 = vector.broadcast %shift_right_arithmetic3A_405 : i32 to vector<16xi32>
        %shift_right_arithmetic3A_407 = arith.shrsi %masked_cumsum3A_383, %shift_right_arithmetic3A_406 : vector<16xi32>
        %add3A_408 = vector.broadcast %add3A_334 : i32 to vector<16xi32>
        %add3A_409 = arith.addi %add3A_408, %and3A_392 : vector<16xi32>
        %shift_right_arithmetic3A_410 = arith.constant 8 : i32
        %shift_right_arithmetic3A_411 = arith.shrsi %mul3A_389, %shift_right_arithmetic3A_410 : i32
        %and3A_412 = arith.constant 255 : i32
        %and3A_413 = arith.andi %shift_right_arithmetic3A_411, %and3A_412 : i32
        %add3A_414 = arith.addi %add3A_334, %and3A_413 : i32
        %add3A_415 = vector.broadcast %add3A_414 : i32 to vector<16xi32>
        %add3A_416 = arith.addi %add3A_415, %and3A_398 : vector<16xi32>
        %shift_right_arithmetic3A_417 = arith.constant 16 : i32
        %shift_right_arithmetic3A_418 = arith.shrsi %mul3A_389, %shift_right_arithmetic3A_417 : i32
        %and3A_419 = arith.constant 255 : i32
        %and3A_420 = arith.andi %shift_right_arithmetic3A_418, %and3A_419 : i32
        %add3A_421 = arith.addi %add3A_334, %and3A_420 : i32
        %add3A_422 = vector.broadcast %add3A_421 : i32 to vector<16xi32>
        %add3A_423 = arith.addi %add3A_422, %and3A_404 : vector<16xi32>
        %shift_right_arithmetic3A_424 = arith.constant 24 : i32
        %shift_right_arithmetic3A_425 = arith.shrsi %mul3A_389, %shift_right_arithmetic3A_424 : i32
        %add3A_426 = arith.addi %add3A_334, %shift_right_arithmetic3A_425 : i32
        %add3A_427 = vector.broadcast %add3A_426 : i32 to vector<16xi32>
        %add3A_428 = arith.addi %add3A_427, %shift_right_arithmetic3A_407 : vector<16xi32>
        %max3A_429 = arith.constant 0 : i32
        %max3A_430 = vector.broadcast %max3A_429 : i32 to vector<16xi32>
        %max3A_431 = arith.maxsi %add3A_409, %max3A_430 : vector<16xi32>
        %min3A_432 = arith.constant 2097151 : i32
        %min3A_433 = vector.broadcast %min3A_432 : i32 to vector<16xi32>
        %min3A_434 = arith.minsi %max3A_431, %min3A_433 : vector<16xi32>
        %mul3A_435 = arith.constant 4 : i32
        %mul3A_436 = arith.muli %add3A_338, %mul3A_435 : i32
        %mul3A_437 = arith.constant 16 : i32
        %mul3A_438 = arith.muli %mul3A_436, %mul3A_437 : i32
        %swap3A_439 = arith.index_cast %mul3A_438 : i32 to index
        %swap3A_440 = tpu.vector_load %arg6[%swap3A_439] {strides = array<i32>} : memref<32768xi32, #tpu.memory_space<vmem>>, vector<16xi32>,
        tpu.vector_store %arg6[%swap3A_439], %min3A_434 {strides = array<i32>} : memref<32768xi32, #tpu.memory_space<vmem>>, vector<16xi32>,
        %max3A_441 = arith.constant 0 : i32
        %max3A_442 = vector.broadcast %max3A_441 : i32 to vector<16xi32>
        %max3A_443 = arith.maxsi %add3A_416, %max3A_442 : vector<16xi32>
        %min3A_444 = arith.constant 2097151 : i32
        %min3A_445 = vector.broadcast %min3A_444 : i32 to vector<16xi32>
        %min3A_446 = arith.minsi %max3A_443, %min3A_445 : vector<16xi32>
        %mul3A_447 = arith.constant 4 : i32
        %mul3A_448 = arith.muli %add3A_338, %mul3A_447 : i32
        %add3A_449 = arith.constant 1 : i32
        %add3A_450 = arith.addi %mul3A_448, %add3A_449 : i32
        %mul3A_451 = arith.constant 16 : i32
        %mul3A_452 = arith.muli %add3A_450, %mul3A_451 : i32
        %swap3A_453 = arith.index_cast %mul3A_452 : i32 to index
        %swap3A_454 = tpu.vector_load %arg6[%swap3A_453] {strides = array<i32>} : memref<32768xi32, #tpu.memory_space<vmem>>, vector<16xi32>,
        tpu.vector_store %arg6[%swap3A_453], %min3A_446 {strides = array<i32>} : memref<32768xi32, #tpu.memory_space<vmem>>, vector<16xi32>,
        %max3A_455 = arith.constant 0 : i32
        %max3A_456 = vector.broadcast %max3A_455 : i32 to vector<16xi32>
        %max3A_457 = arith.maxsi %add3A_423, %max3A_456 : vector<16xi32>
        %min3A_458 = arith.constant 2097151 : i32
        %min3A_459 = vector.broadcast %min3A_458 : i32 to vector<16xi32>
        %min3A_460 = arith.minsi %max3A_457, %min3A_459 : vector<16xi32>
        %mul3A_461 = arith.constant 4 : i32
        %mul3A_462 = arith.muli %add3A_338, %mul3A_461 : i32
        %add3A_463 = arith.constant 2 : i32
        %add3A_464 = arith.addi %mul3A_462, %add3A_463 : i32
        %mul3A_465 = arith.constant 16 : i32
        %mul3A_466 = arith.muli %add3A_464, %mul3A_465 : i32
        %swap3A_467 = arith.index_cast %mul3A_466 : i32 to index
        %swap3A_468 = tpu.vector_load %arg6[%swap3A_467] {strides = array<i32>} : memref<32768xi32, #tpu.memory_space<vmem>>, vector<16xi32>,
        tpu.vector_store %arg6[%swap3A_467], %min3A_460 {strides = array<i32>} : memref<32768xi32, #tpu.memory_space<vmem>>, vector<16xi32>,
        %max3A_469 = arith.constant 0 : i32
        %max3A_470 = vector.broadcast %max3A_469 : i32 to vector<16xi32>
        %max3A_471 = arith.maxsi %add3A_428, %max3A_470 : vector<16xi32>
        %min3A_472 = arith.constant 2097151 : i32
        %min3A_473 = vector.broadcast %min3A_472 : i32 to vector<16xi32>
        %min3A_474 = arith.minsi %max3A_471, %min3A_473 : vector<16xi32>
        %mul3A_475 = arith.constant 4 : i32
        %mul3A_476 = arith.muli %add3A_338, %mul3A_475 : i32
        %add3A_477 = arith.constant 3 : i32
        %add3A_478 = arith.addi %mul3A_476, %add3A_477 : i32
        %mul3A_479 = arith.constant 16 : i32
        %mul3A_480 = arith.muli %add3A_478, %mul3A_479 : i32
        %swap3A_481 = arith.index_cast %mul3A_480 : i32 to index
        %swap3A_482 = tpu.vector_load %arg6[%swap3A_481] {strides = array<i32>} : memref<32768xi32, #tpu.memory_space<vmem>>, vector<16xi32>,
        tpu.vector_store %arg6[%swap3A_481], %min3A_474 {strides = array<i32>} : memref<32768xi32, #tpu.memory_space<vmem>>, vector<16xi32>,
        %shift_right_arithmetic3A_483 = arith.constant 24 : i32
        %shift_right_arithmetic3A_484 = arith.shrsi %mul3A_389, %shift_right_arithmetic3A_483 : i32
        %shift_right_arithmetic3A_485 = arith.constant 24 : i32
        %shift_right_arithmetic3A_486 = arith.shrsi %reduce_sum3A_387, %shift_right_arithmetic3A_485 : i32
        %add3A_487 = arith.addi %shift_right_arithmetic3A_484, %shift_right_arithmetic3A_486 : i32
        %add3A_488 = arith.addi %add3A_334, %add3A_487 : i32
        %mul3A_489 = arith.constant 4 : i32
        %mul3A_490 = arith.muli %scan3A_33, %mul3A_489 : i32
        %add3A_491 = arith.constant 3 : i32
        %add3A_492 = arith.addi %mul3A_490, %add3A_491 : i32
        %mul3A_493 = arith.constant 4 : i32
        %mul3A_494 = arith.muli %add3A_492, %mul3A_493 : i32
        %mul3A_495 = arith.constant 16 : i32
        %mul3A_496 = arith.muli %mul3A_494, %mul3A_495 : i32
        %get3A_497 = arith.index_cast %mul3A_496 : i32 to index
        %get3A_498 = tpu.vector_load %arg5[%get3A_497] {strides = array<i32>} : memref<32768xi32, #tpu.memory_space<vmem>>, vector<16xi32>,
        %mul3A_499 = arith.constant 4 : i32
        %mul3A_500 = arith.muli %add3A_492, %mul3A_499 : i32
        %add3A_501 = arith.constant 1 : i32
        %add3A_502 = arith.addi %mul3A_500, %add3A_501 : i32
        %mul3A_503 = arith.constant 16 : i32
        %mul3A_504 = arith.muli %add3A_502, %mul3A_503 : i32
        %get3A_505 = arith.index_cast %mul3A_504 : i32 to index
        %get3A_506 = tpu.vector_load %arg5[%get3A_505] {strides = array<i32>} : memref<32768xi32, #tpu.memory_space<vmem>>, vector<16xi32>,
        %mul3A_507 = arith.constant 4 : i32
        %mul3A_508 = arith.muli %add3A_492, %mul3A_507 : i32
        %add3A_509 = arith.constant 2 : i32
        %add3A_510 = arith.addi %mul3A_508, %add3A_509 : i32
        %mul3A_511 = arith.constant 16 : i32
        %mul3A_512 = arith.muli %add3A_510, %mul3A_511 : i32
        %get3A_513 = arith.index_cast %mul3A_512 : i32 to index
        %get3A_514 = tpu.vector_load %arg5[%get3A_513] {strides = array<i32>} : memref<32768xi32, #tpu.memory_space<vmem>>, vector<16xi32>,
        %mul3A_515 = arith.constant 4 : i32
        %mul3A_516 = arith.muli %add3A_492, %mul3A_515 : i32
        %add3A_517 = arith.constant 3 : i32
        %add3A_518 = arith.addi %mul3A_516, %add3A_517 : i32
        %mul3A_519 = arith.constant 16 : i32
        %mul3A_520 = arith.muli %add3A_518, %mul3A_519 : i32
        %get3A_521 = arith.index_cast %mul3A_520 : i32 to index
        %get3A_522 = tpu.vector_load %arg5[%get3A_521] {strides = array<i32>} : memref<32768xi32, #tpu.memory_space<vmem>>, vector<16xi32>,
        %shift_left3A_523 = arith.constant 8 : i32
        %shift_left3A_524 = vector.broadcast %shift_left3A_523 : i32 to vector<16xi32>
        %shift_left3A_525 = arith.shli %get3A_506, %shift_left3A_524 : vector<16xi32>
        %add3A_526 = arith.addi %get3A_498, %shift_left3A_525 : vector<16xi32>
        %shift_left3A_527 = arith.constant 16 : i32
        %shift_left3A_528 = vector.broadcast %shift_left3A_527 : i32 to vector<16xi32>
        %shift_left3A_529 = arith.shli %get3A_514, %shift_left3A_528 : vector<16xi32>
        %shift_left3A_530 = arith.constant 24 : i32
        %shift_left3A_531 = vector.broadcast %shift_left3A_530 : i32 to vector<16xi32>
        %shift_left3A_532 = arith.shli %get3A_522, %shift_left3A_531 : vector<16xi32>
        %add3A_533 = arith.addi %shift_left3A_529, %shift_left3A_532 : vector<16xi32>
        %add3A_534 = arith.addi %add3A_526, %add3A_533 : vector<16xi32>
        %broadcast_in_dim3A_535 = arith.constant true
        %broadcast_in_dim3A_536 = vector.broadcast %broadcast_in_dim3A_535 : i1 to vector<16xi1>
        %masked_cumsum3A_537 = tpu.scan <sum>, %add3A_534 masked %broadcast_in_dim3A_536 : vector<16xi32>, vector<16xi1> -> vector<16xi32>
        %reduce_sum3A_538 = arith.constant true
        %reduce_sum3A_539 = vector.broadcast %reduce_sum3A_538 : i1 to vector<16xi1>
        %reduce_sum3A_540 = tpu.scan <sum>, %add3A_534 masked %reduce_sum3A_539 : vector<16xi32>, vector<16xi1> -> vector<16xi32>
        %reduce_sum3A_541 = vector.extract %reduce_sum3A_540[15] : i32 from vector<16xi32>
        %mul3A_542 = arith.constant 16843008 : i32
        %mul3A_543 = arith.muli %reduce_sum3A_541, %mul3A_542 : i32
        %and3A_544 = arith.constant 255 : i32
        %and3A_545 = vector.broadcast %and3A_544 : i32 to vector<16xi32>
        %and3A_546 = arith.andi %masked_cumsum3A_537, %and3A_545 : vector<16xi32>
        %shift_right_arithmetic3A_547 = arith.constant 8 : i32
        %shift_right_arithmetic3A_548 = vector.broadcast %shift_right_arithmetic3A_547 : i32 to vector<16xi32>
        %shift_right_arithmetic3A_549 = arith.shrsi %masked_cumsum3A_537, %shift_right_arithmetic3A_548 : vector<16xi32>
        %and3A_550 = arith.constant 255 : i32
        %and3A_551 = vector.broadcast %and3A_550 : i32 to vector<16xi32>
        %and3A_552 = arith.andi %shift_right_arithmetic3A_549, %and3A_551 : vector<16xi32>
        %shift_right_arithmetic3A_553 = arith.constant 16 : i32
        %shift_right_arithmetic3A_554 = vector.broadcast %shift_right_arithmetic3A_553 : i32 to vector<16xi32>
        %shift_right_arithmetic3A_555 = arith.shrsi %masked_cumsum3A_537, %shift_right_arithmetic3A_554 : vector<16xi32>
        %and3A_556 = arith.constant 255 : i32
        %and3A_557 = vector.broadcast %and3A_556 : i32 to vector<16xi32>
        %and3A_558 = arith.andi %shift_right_arithmetic3A_555, %and3A_557 : vector<16xi32>
        %shift_right_arithmetic3A_559 = arith.constant 24 : i32
        %shift_right_arithmetic3A_560 = vector.broadcast %shift_right_arithmetic3A_559 : i32 to vector<16xi32>
        %shift_right_arithmetic3A_561 = arith.shrsi %masked_cumsum3A_537, %shift_right_arithmetic3A_560 : vector<16xi32>
        %add3A_562 = vector.broadcast %add3A_488 : i32 to vector<16xi32>
        %add3A_563 = arith.addi %add3A_562, %and3A_546 : vector<16xi32>
        %shift_right_arithmetic3A_564 = arith.constant 8 : i32
        %shift_right_arithmetic3A_565 = arith.shrsi %mul3A_543, %shift_right_arithmetic3A_564 : i32
        %and3A_566 = arith.constant 255 : i32
        %and3A_567 = arith.andi %shift_right_arithmetic3A_565, %and3A_566 : i32
        %add3A_568 = arith.addi %add3A_488, %and3A_567 : i32
        %add3A_569 = vector.broadcast %add3A_568 : i32 to vector<16xi32>
        %add3A_570 = arith.addi %add3A_569, %and3A_552 : vector<16xi32>
        %shift_right_arithmetic3A_571 = arith.constant 16 : i32
        %shift_right_arithmetic3A_572 = arith.shrsi %mul3A_543, %shift_right_arithmetic3A_571 : i32
        %and3A_573 = arith.constant 255 : i32
        %and3A_574 = arith.andi %shift_right_arithmetic3A_572, %and3A_573 : i32
        %add3A_575 = arith.addi %add3A_488, %and3A_574 : i32
        %add3A_576 = vector.broadcast %add3A_575 : i32 to vector<16xi32>
        %add3A_577 = arith.addi %add3A_576, %and3A_558 : vector<16xi32>
        %shift_right_arithmetic3A_578 = arith.constant 24 : i32
        %shift_right_arithmetic3A_579 = arith.shrsi %mul3A_543, %shift_right_arithmetic3A_578 : i32
        %add3A_580 = arith.addi %add3A_488, %shift_right_arithmetic3A_579 : i32
        %add3A_581 = vector.broadcast %add3A_580 : i32 to vector<16xi32>
        %add3A_582 = arith.addi %add3A_581, %shift_right_arithmetic3A_561 : vector<16xi32>
        %max3A_583 = arith.constant 0 : i32
        %max3A_584 = vector.broadcast %max3A_583 : i32 to vector<16xi32>
        %max3A_585 = arith.maxsi %add3A_563, %max3A_584 : vector<16xi32>
        %min3A_586 = arith.constant 2097151 : i32
        %min3A_587 = vector.broadcast %min3A_586 : i32 to vector<16xi32>
        %min3A_588 = arith.minsi %max3A_585, %min3A_587 : vector<16xi32>
        %mul3A_589 = arith.constant 4 : i32
        %mul3A_590 = arith.muli %add3A_492, %mul3A_589 : i32
        %mul3A_591 = arith.constant 16 : i32
        %mul3A_592 = arith.muli %mul3A_590, %mul3A_591 : i32
        %swap3A_593 = arith.index_cast %mul3A_592 : i32 to index
        %swap3A_594 = tpu.vector_load %arg6[%swap3A_593] {strides = array<i32>} : memref<32768xi32, #tpu.memory_space<vmem>>, vector<16xi32>,
        tpu.vector_store %arg6[%swap3A_593], %min3A_588 {strides = array<i32>} : memref<32768xi32, #tpu.memory_space<vmem>>, vector<16xi32>,
        %max3A_595 = arith.constant 0 : i32
        %max3A_596 = vector.broadcast %max3A_595 : i32 to vector<16xi32>
        %max3A_597 = arith.maxsi %add3A_570, %max3A_596 : vector<16xi32>
        %min3A_598 = arith.constant 2097151 : i32
        %min3A_599 = vector.broadcast %min3A_598 : i32 to vector<16xi32>
        %min3A_600 = arith.minsi %max3A_597, %min3A_599 : vector<16xi32>
        %mul3A_601 = arith.constant 4 : i32
        %mul3A_602 = arith.muli %add3A_492, %mul3A_601 : i32
        %add3A_603 = arith.constant 1 : i32
        %add3A_604 = arith.addi %mul3A_602, %add3A_603 : i32
        %mul3A_605 = arith.constant 16 : i32
        %mul3A_606 = arith.muli %add3A_604, %mul3A_605 : i32
        %swap3A_607 = arith.index_cast %mul3A_606 : i32 to index
        %swap3A_608 = tpu.vector_load %arg6[%swap3A_607] {strides = array<i32>} : memref<32768xi32, #tpu.memory_space<vmem>>, vector<16xi32>,
        tpu.vector_store %arg6[%swap3A_607], %min3A_600 {strides = array<i32>} : memref<32768xi32, #tpu.memory_space<vmem>>, vector<16xi32>,
        %max3A_609 = arith.constant 0 : i32
        %max3A_610 = vector.broadcast %max3A_609 : i32 to vector<16xi32>
        %max3A_611 = arith.maxsi %add3A_577, %max3A_610 : vector<16xi32>
        %min3A_612 = arith.constant 2097151 : i32
        %min3A_613 = vector.broadcast %min3A_612 : i32 to vector<16xi32>
        %min3A_614 = arith.minsi %max3A_611, %min3A_613 : vector<16xi32>
        %mul3A_615 = arith.constant 4 : i32
        %mul3A_616 = arith.muli %add3A_492, %mul3A_615 : i32
        %add3A_617 = arith.constant 2 : i32
        %add3A_618 = arith.addi %mul3A_616, %add3A_617 : i32
        %mul3A_619 = arith.constant 16 : i32
        %mul3A_620 = arith.muli %add3A_618, %mul3A_619 : i32
        %swap3A_621 = arith.index_cast %mul3A_620 : i32 to index
        %swap3A_622 = tpu.vector_load %arg6[%swap3A_621] {strides = array<i32>} : memref<32768xi32, #tpu.memory_space<vmem>>, vector<16xi32>,
        tpu.vector_store %arg6[%swap3A_621], %min3A_614 {strides = array<i32>} : memref<32768xi32, #tpu.memory_space<vmem>>, vector<16xi32>,
        %max3A_623 = arith.constant 0 : i32
        %max3A_624 = vector.broadcast %max3A_623 : i32 to vector<16xi32>
        %max3A_625 = arith.maxsi %add3A_582, %max3A_624 : vector<16xi32>
        %min3A_626 = arith.constant 2097151 : i32
        %min3A_627 = vector.broadcast %min3A_626 : i32 to vector<16xi32>
        %min3A_628 = arith.minsi %max3A_625, %min3A_627 : vector<16xi32>
        %mul3A_629 = arith.constant 4 : i32
        %mul3A_630 = arith.muli %add3A_492, %mul3A_629 : i32
        %add3A_631 = arith.constant 3 : i32
        %add3A_632 = arith.addi %mul3A_630, %add3A_631 : i32
        %mul3A_633 = arith.constant 16 : i32
        %mul3A_634 = arith.muli %add3A_632, %mul3A_633 : i32
        %swap3A_635 = arith.index_cast %mul3A_634 : i32 to index
        %swap3A_636 = tpu.vector_load %arg6[%swap3A_635] {strides = array<i32>} : memref<32768xi32, #tpu.memory_space<vmem>>, vector<16xi32>,
        tpu.vector_store %arg6[%swap3A_635], %min3A_628 {strides = array<i32>} : memref<32768xi32, #tpu.memory_space<vmem>>, vector<16xi32>,
        %shift_right_arithmetic3A_637 = arith.constant 24 : i32
        %shift_right_arithmetic3A_638 = arith.shrsi %mul3A_543, %shift_right_arithmetic3A_637 : i32
        %shift_right_arithmetic3A_639 = arith.constant 24 : i32
        %shift_right_arithmetic3A_640 = arith.shrsi %reduce_sum3A_541, %shift_right_arithmetic3A_639 : i32
        %add3A_641 = arith.addi %shift_right_arithmetic3A_638, %shift_right_arithmetic3A_640 : i32
        %add3A_642 = arith.addi %add3A_488, %add3A_641 : i32
        scf.yield %add3A_642 : i32
      }
      %scan3A_29 = arith.constant 128 : i32
      %mul3A_30 = arith.constant 32768 : i32
      %mul3A_31 = arith.muli %scan3A_19, %mul3A_30 : i32
      %add3A_32 = arith.addi %mul3A_2, %mul3A_31 : i32
      "tpu.region"() ({
        %run_scoped3A = tpu.sem_alloc : memref<!tpu.dma_semaphore, #tpu.memory_space<semaphore_mem>>
        %dma_start3A = tpu.memref_slice %arg4[%add3A_32] : memref<4194304xi32, #tpu.memory_space<hbm>> -> memref<32768xi32, #tpu.memory_space<hbm>>
        %dma_start3A_33 = tpu.memref_slice %arg4[%add3A_32] : memref<4194304xi32, #tpu.memory_space<hbm>> -> memref<32768xi32, #tpu.memory_space<hbm>>
        tpu.enqueue_dma source(%arg6 : memref<32768xi32, #tpu.memory_space<vmem>>) target(%dma_start3A_33 : memref<32768xi32, #tpu.memory_space<hbm>>) target_semaphore(%run_scoped3A : memref<!tpu.dma_semaphore, #tpu.memory_space<semaphore_mem>>)
        %dma_wait3A = tpu.memref_slice %arg4[%add3A_32] : memref<4194304xi32, #tpu.memory_space<hbm>> -> memref<32768xi32, #tpu.memory_space<hbm>>
        %dma_wait3A_34 = tpu.memref_slice %arg4[%add3A_32] : memref<4194304xi32, #tpu.memory_space<hbm>> -> memref<32768xi32, #tpu.memory_space<hbm>>
        tpu.wait_dma2 semaphore(%run_scoped3A : memref<!tpu.dma_semaphore, #tpu.memory_space<semaphore_mem>>) src(%arg6 : memref<32768xi32, #tpu.memory_space<vmem>>) dst(%dma_wait3A_34 : memref<32768xi32, #tpu.memory_space<hbm>>)
        tpu.yield
      }) : () -> ()
      scf.yield %scan3A_28 : i32
    }
    %scan3A_18 = arith.constant 4 : i32
    return
  }
}

#map = affine_map<(d0, d1) -> (0)>
#map1 = affine_map<(d0, d1) -> (0, 0)>
module attributes {stable_mosaic.version = 14 : i64} {
  func.func @_sums_kernel(%arg0: i32, %arg1: i32, %arg2: memref<4194304xi32, #tpu.memory_space<hbm>>, %arg3: memref<32x16xi32, #tpu.memory_space<hbm>>, %arg4: memref<2x32768xi32, #tpu.memory_space<vmem>>, %arg5: memref<16xi32, #tpu.memory_space<vmem>>, %arg6: memref<!tpu.dma_semaphore, #tpu.memory_space<semaphore_mem>>, %arg7: memref<!tpu.dma_semaphore, #tpu.memory_space<semaphore_mem>>) attributes {dimension_semantics = [#tpu.dimension_semantics<core_parallel>, #tpu.dimension_semantics<subcore_parallel>], iteration_bounds = array<i64: 2, 16>, scalar_prefetch = 0 : i64, scratch_operands = 4 : i64, tpu.core_type = #tpu.core_type<sc_vector_subcore>, window_params = [{transform_indices = #map}, {transform_indices = #map1}]} {
    %mul3A = arith.constant 16 : i32
    %mul3A_0 = arith.muli %arg0, %mul3A : i32
    %add3A = arith.addi %mul3A_0, %arg1 : i32
    %mul3A_1 = arith.constant 131072 : i32
    %mul3A_2 = arith.muli %add3A, %mul3A_1 : i32
    %add3A_3 = arith.constant 0 : i32
    %add3A_4 = arith.addi %mul3A_2, %add3A_3 : i32
    %dma_start3A = arith.constant 0 : i32
    %dma_start3A_5 = arith.constant 0 : i32
    %dma_start3A_6 = tpu.memref_slice %arg4[%dma_start3A, %dma_start3A_5] : memref<2x32768xi32, #tpu.memory_space<vmem>> -> memref<1x32768xi32, #tpu.memory_space<vmem>>
    %dma_start3A_7 = tpu.memref_squeeze %dma_start3A_6 : memref<1x32768xi32, #tpu.memory_space<vmem>> -> memref<32768xi32, #tpu.memory_space<vmem>>
    %dma_start3A_8 = tpu.memref_slice %arg2[%add3A_4] : memref<4194304xi32, #tpu.memory_space<hbm>> -> memref<32768xi32, #tpu.memory_space<hbm>>
    %dma_start3A_9 = arith.constant 0 : i32
    %dma_start3A_10 = tpu.memref_slice %arg4[%dma_start3A, %dma_start3A_9] : memref<2x32768xi32, #tpu.memory_space<vmem>> -> memref<1x32768xi32, #tpu.memory_space<vmem>>
    %dma_start3A_11 = tpu.memref_squeeze %dma_start3A_10 : memref<1x32768xi32, #tpu.memory_space<vmem>> -> memref<32768xi32, #tpu.memory_space<vmem>>
    %dma_start3A_12 = tpu.memref_slice %arg2[%add3A_4] : memref<4194304xi32, #tpu.memory_space<hbm>> -> memref<32768xi32, #tpu.memory_space<hbm>>
    tpu.enqueue_dma source(%dma_start3A_12 : memref<32768xi32, #tpu.memory_space<hbm>>) target(%dma_start3A_11 : memref<32768xi32, #tpu.memory_space<vmem>>) target_semaphore(%arg6 : memref<!tpu.dma_semaphore, #tpu.memory_space<semaphore_mem>>)
    %broadcast_in_dim3A = arith.constant 0 : i32
    %broadcast_in_dim3A_13 = vector.broadcast %broadcast_in_dim3A : i32 to vector<16xi32>
    %add3A_14 = arith.constant 32768 : i32
    %add3A_15 = arith.addi %mul3A_2, %add3A_14 : i32
    %dma_start3A_16 = arith.constant 1 : i32
    %dma_start3A_17 = arith.constant 0 : i32
    %dma_start3A_18 = tpu.memref_slice %arg4[%dma_start3A_16, %dma_start3A_17] : memref<2x32768xi32, #tpu.memory_space<vmem>> -> memref<1x32768xi32, #tpu.memory_space<vmem>>
    %dma_start3A_19 = tpu.memref_squeeze %dma_start3A_18 : memref<1x32768xi32, #tpu.memory_space<vmem>> -> memref<32768xi32, #tpu.memory_space<vmem>>
    %dma_start3A_20 = tpu.memref_slice %arg2[%add3A_15] : memref<4194304xi32, #tpu.memory_space<hbm>> -> memref<32768xi32, #tpu.memory_space<hbm>>
    %dma_start3A_21 = arith.constant 0 : i32
    %dma_start3A_22 = tpu.memref_slice %arg4[%dma_start3A_16, %dma_start3A_21] : memref<2x32768xi32, #tpu.memory_space<vmem>> -> memref<1x32768xi32, #tpu.memory_space<vmem>>
    %dma_start3A_23 = tpu.memref_squeeze %dma_start3A_22 : memref<1x32768xi32, #tpu.memory_space<vmem>> -> memref<32768xi32, #tpu.memory_space<vmem>>
    %dma_start3A_24 = tpu.memref_slice %arg2[%add3A_15] : memref<4194304xi32, #tpu.memory_space<hbm>> -> memref<32768xi32, #tpu.memory_space<hbm>>
    tpu.enqueue_dma source(%dma_start3A_24 : memref<32768xi32, #tpu.memory_space<hbm>>) target(%dma_start3A_23 : memref<32768xi32, #tpu.memory_space<vmem>>) target_semaphore(%arg7 : memref<!tpu.dma_semaphore, #tpu.memory_space<semaphore_mem>>)
    %dma_wait3A = arith.constant 0 : i32
    %dma_wait3A_25 = arith.constant 0 : i32
    %dma_wait3A_26 = tpu.memref_slice %arg4[%dma_wait3A, %dma_wait3A_25] : memref<2x32768xi32, #tpu.memory_space<vmem>> -> memref<1x32768xi32, #tpu.memory_space<vmem>>
    %dma_wait3A_27 = tpu.memref_squeeze %dma_wait3A_26 : memref<1x32768xi32, #tpu.memory_space<vmem>> -> memref<32768xi32, #tpu.memory_space<vmem>>
    %dma_wait3A_28 = tpu.memref_slice %arg2[%add3A_4] : memref<4194304xi32, #tpu.memory_space<hbm>> -> memref<32768xi32, #tpu.memory_space<hbm>>
    %dma_wait3A_29 = arith.constant 0 : i32
    %dma_wait3A_30 = tpu.memref_slice %arg4[%dma_wait3A, %dma_wait3A_29] : memref<2x32768xi32, #tpu.memory_space<vmem>> -> memref<1x32768xi32, #tpu.memory_space<vmem>>
    %dma_wait3A_31 = tpu.memref_squeeze %dma_wait3A_30 : memref<1x32768xi32, #tpu.memory_space<vmem>> -> memref<32768xi32, #tpu.memory_space<vmem>>
    %dma_wait3A_32 = tpu.memref_slice %arg2[%add3A_4] : memref<4194304xi32, #tpu.memory_space<hbm>> -> memref<32768xi32, #tpu.memory_space<hbm>>
    tpu.wait_dma2 semaphore(%arg6 : memref<!tpu.dma_semaphore, #tpu.memory_space<semaphore_mem>>) src(%dma_wait3A_32 : memref<32768xi32, #tpu.memory_space<hbm>>) dst(%dma_wait3A_31 : memref<32768xi32, #tpu.memory_space<vmem>>)
    %scan3A = arith.constant 0 : i32
    %scan3A_33 = arith.constant 512 : i32
    %scan3A_34 = arith.addi %scan3A, %scan3A_33 : i32
    %scan3A_35 = arith.constant 1 : i32
    %scan3A_36 = scf.for %scan3A_106 = %scan3A to %scan3A_34 step %scan3A_35 iter_args(%scan3A_107 = %broadcast_in_dim3A_13) -> (vector<16xi32>)  : i32 {
      %mul3A_108 = arith.constant 4 : i32
      %mul3A_109 = arith.muli %scan3A_106, %mul3A_108 : i32
      %mul3A_110 = arith.constant 16 : i32
      %mul3A_111 = arith.muli %mul3A_109, %mul3A_110 : i32
      %get3A = arith.constant 0 : i32
      %get3A_112 = arith.index_cast %get3A : i32 to index
      %get3A_113 = arith.index_cast %mul3A_111 : i32 to index
      %get3A_114 = tpu.vector_load %arg4[%get3A_112, %get3A_113] {strides = array<i32>} : memref<2x32768xi32, #tpu.memory_space<vmem>>, vector<16xi32>,
      %mul3A_115 = arith.constant 4 : i32
      %mul3A_116 = arith.muli %scan3A_106, %mul3A_115 : i32
      %add3A_117 = arith.constant 1 : i32
      %add3A_118 = arith.addi %mul3A_116, %add3A_117 : i32
      %mul3A_119 = arith.constant 16 : i32
      %mul3A_120 = arith.muli %add3A_118, %mul3A_119 : i32
      %get3A_121 = arith.constant 0 : i32
      %get3A_122 = arith.index_cast %get3A_121 : i32 to index
      %get3A_123 = arith.index_cast %mul3A_120 : i32 to index
      %get3A_124 = tpu.vector_load %arg4[%get3A_122, %get3A_123] {strides = array<i32>} : memref<2x32768xi32, #tpu.memory_space<vmem>>, vector<16xi32>,
      %mul3A_125 = arith.constant 4 : i32
      %mul3A_126 = arith.muli %scan3A_106, %mul3A_125 : i32
      %add3A_127 = arith.constant 2 : i32
      %add3A_128 = arith.addi %mul3A_126, %add3A_127 : i32
      %mul3A_129 = arith.constant 16 : i32
      %mul3A_130 = arith.muli %add3A_128, %mul3A_129 : i32
      %get3A_131 = arith.constant 0 : i32
      %get3A_132 = arith.index_cast %get3A_131 : i32 to index
      %get3A_133 = arith.index_cast %mul3A_130 : i32 to index
      %get3A_134 = tpu.vector_load %arg4[%get3A_132, %get3A_133] {strides = array<i32>} : memref<2x32768xi32, #tpu.memory_space<vmem>>, vector<16xi32>,
      %mul3A_135 = arith.constant 4 : i32
      %mul3A_136 = arith.muli %scan3A_106, %mul3A_135 : i32
      %add3A_137 = arith.constant 3 : i32
      %add3A_138 = arith.addi %mul3A_136, %add3A_137 : i32
      %mul3A_139 = arith.constant 16 : i32
      %mul3A_140 = arith.muli %add3A_138, %mul3A_139 : i32
      %get3A_141 = arith.constant 0 : i32
      %get3A_142 = arith.index_cast %get3A_141 : i32 to index
      %get3A_143 = arith.index_cast %mul3A_140 : i32 to index
      %get3A_144 = tpu.vector_load %arg4[%get3A_142, %get3A_143] {strides = array<i32>} : memref<2x32768xi32, #tpu.memory_space<vmem>>, vector<16xi32>,
      %add3A_145 = arith.addi %get3A_114, %get3A_124 : vector<16xi32>
      %add3A_146 = arith.addi %get3A_134, %get3A_144 : vector<16xi32>
      %add3A_147 = arith.addi %add3A_145, %add3A_146 : vector<16xi32>
      %add3A_148 = arith.addi %scan3A_107, %add3A_147 : vector<16xi32>
      scf.yield %add3A_148 : vector<16xi32>
    }
    %scan3A_37 = arith.constant 512 : i32
    %add3A_38 = arith.constant 65536 : i32
    %add3A_39 = arith.addi %mul3A_2, %add3A_38 : i32
    %dma_start3A_40 = arith.constant 0 : i32
    %dma_start3A_41 = arith.constant 0 : i32
    %dma_start3A_42 = tpu.memref_slice %arg4[%dma_start3A_40, %dma_start3A_41] : memref<2x32768xi32, #tpu.memory_space<vmem>> -> memref<1x32768xi32, #tpu.memory_space<vmem>>
    %dma_start3A_43 = tpu.memref_squeeze %dma_start3A_42 : memref<1x32768xi32, #tpu.memory_space<vmem>> -> memref<32768xi32, #tpu.memory_space<vmem>>
    %dma_start3A_44 = tpu.memref_slice %arg2[%add3A_39] : memref<4194304xi32, #tpu.memory_space<hbm>> -> memref<32768xi32, #tpu.memory_space<hbm>>
    %dma_start3A_45 = arith.constant 0 : i32
    %dma_start3A_46 = tpu.memref_slice %arg4[%dma_start3A_40, %dma_start3A_45] : memref<2x32768xi32, #tpu.memory_space<vmem>> -> memref<1x32768xi32, #tpu.memory_space<vmem>>
    %dma_start3A_47 = tpu.memref_squeeze %dma_start3A_46 : memref<1x32768xi32, #tpu.memory_space<vmem>> -> memref<32768xi32, #tpu.memory_space<vmem>>
    %dma_start3A_48 = tpu.memref_slice %arg2[%add3A_39] : memref<4194304xi32, #tpu.memory_space<hbm>> -> memref<32768xi32, #tpu.memory_space<hbm>>
    tpu.enqueue_dma source(%dma_start3A_48 : memref<32768xi32, #tpu.memory_space<hbm>>) target(%dma_start3A_47 : memref<32768xi32, #tpu.memory_space<vmem>>) target_semaphore(%arg6 : memref<!tpu.dma_semaphore, #tpu.memory_space<semaphore_mem>>)
    %dma_wait3A_49 = arith.constant 1 : i32
    %dma_wait3A_50 = arith.constant 0 : i32
    %dma_wait3A_51 = tpu.memref_slice %arg4[%dma_wait3A_49, %dma_wait3A_50] : memref<2x32768xi32, #tpu.memory_space<vmem>> -> memref<1x32768xi32, #tpu.memory_space<vmem>>
    %dma_wait3A_52 = tpu.memref_squeeze %dma_wait3A_51 : memref<1x32768xi32, #tpu.memory_space<vmem>> -> memref<32768xi32, #tpu.memory_space<vmem>>
    %dma_wait3A_53 = tpu.memref_slice %arg2[%add3A_15] : memref<4194304xi32, #tpu.memory_space<hbm>> -> memref<32768xi32, #tpu.memory_space<hbm>>
    %dma_wait3A_54 = arith.constant 0 : i32
    %dma_wait3A_55 = tpu.memref_slice %arg4[%dma_wait3A_49, %dma_wait3A_54] : memref<2x32768xi32, #tpu.memory_space<vmem>> -> memref<1x32768xi32, #tpu.memory_space<vmem>>
    %dma_wait3A_56 = tpu.memref_squeeze %dma_wait3A_55 : memref<1x32768xi32, #tpu.memory_space<vmem>> -> memref<32768xi32, #tpu.memory_space<vmem>>
    %dma_wait3A_57 = tpu.memref_slice %arg2[%add3A_15] : memref<4194304xi32, #tpu.memory_space<hbm>> -> memref<32768xi32, #tpu.memory_space<hbm>>
    tpu.wait_dma2 semaphore(%arg7 : memref<!tpu.dma_semaphore, #tpu.memory_space<semaphore_mem>>) src(%dma_wait3A_57 : memref<32768xi32, #tpu.memory_space<hbm>>) dst(%dma_wait3A_56 : memref<32768xi32, #tpu.memory_space<vmem>>)
    %scan3A_58 = arith.constant 0 : i32
    %scan3A_59 = arith.constant 512 : i32
    %scan3A_60 = arith.addi %scan3A_58, %scan3A_59 : i32
    %scan3A_61 = arith.constant 1 : i32
    %scan3A_62 = scf.for %scan3A_106 = %scan3A_58 to %scan3A_60 step %scan3A_61 iter_args(%scan3A_107 = %scan3A_36) -> (vector<16xi32>)  : i32 {
      %mul3A_108 = arith.constant 4 : i32
      %mul3A_109 = arith.muli %scan3A_106, %mul3A_108 : i32
      %mul3A_110 = arith.constant 16 : i32
      %mul3A_111 = arith.muli %mul3A_109, %mul3A_110 : i32
      %get3A = arith.constant 1 : i32
      %get3A_112 = arith.index_cast %get3A : i32 to index
      %get3A_113 = arith.index_cast %mul3A_111 : i32 to index
      %get3A_114 = tpu.vector_load %arg4[%get3A_112, %get3A_113] {strides = array<i32>} : memref<2x32768xi32, #tpu.memory_space<vmem>>, vector<16xi32>,
      %mul3A_115 = arith.constant 4 : i32
      %mul3A_116 = arith.muli %scan3A_106, %mul3A_115 : i32
      %add3A_117 = arith.constant 1 : i32
      %add3A_118 = arith.addi %mul3A_116, %add3A_117 : i32
      %mul3A_119 = arith.constant 16 : i32
      %mul3A_120 = arith.muli %add3A_118, %mul3A_119 : i32
      %get3A_121 = arith.constant 1 : i32
      %get3A_122 = arith.index_cast %get3A_121 : i32 to index
      %get3A_123 = arith.index_cast %mul3A_120 : i32 to index
      %get3A_124 = tpu.vector_load %arg4[%get3A_122, %get3A_123] {strides = array<i32>} : memref<2x32768xi32, #tpu.memory_space<vmem>>, vector<16xi32>,
      %mul3A_125 = arith.constant 4 : i32
      %mul3A_126 = arith.muli %scan3A_106, %mul3A_125 : i32
      %add3A_127 = arith.constant 2 : i32
      %add3A_128 = arith.addi %mul3A_126, %add3A_127 : i32
      %mul3A_129 = arith.constant 16 : i32
      %mul3A_130 = arith.muli %add3A_128, %mul3A_129 : i32
      %get3A_131 = arith.constant 1 : i32
      %get3A_132 = arith.index_cast %get3A_131 : i32 to index
      %get3A_133 = arith.index_cast %mul3A_130 : i32 to index
      %get3A_134 = tpu.vector_load %arg4[%get3A_132, %get3A_133] {strides = array<i32>} : memref<2x32768xi32, #tpu.memory_space<vmem>>, vector<16xi32>,
      %mul3A_135 = arith.constant 4 : i32
      %mul3A_136 = arith.muli %scan3A_106, %mul3A_135 : i32
      %add3A_137 = arith.constant 3 : i32
      %add3A_138 = arith.addi %mul3A_136, %add3A_137 : i32
      %mul3A_139 = arith.constant 16 : i32
      %mul3A_140 = arith.muli %add3A_138, %mul3A_139 : i32
      %get3A_141 = arith.constant 1 : i32
      %get3A_142 = arith.index_cast %get3A_141 : i32 to index
      %get3A_143 = arith.index_cast %mul3A_140 : i32 to index
      %get3A_144 = tpu.vector_load %arg4[%get3A_142, %get3A_143] {strides = array<i32>} : memref<2x32768xi32, #tpu.memory_space<vmem>>, vector<16xi32>,
      %add3A_145 = arith.addi %get3A_114, %get3A_124 : vector<16xi32>
      %add3A_146 = arith.addi %get3A_134, %get3A_144 : vector<16xi32>
      %add3A_147 = arith.addi %add3A_145, %add3A_146 : vector<16xi32>
      %add3A_148 = arith.addi %scan3A_107, %add3A_147 : vector<16xi32>
      scf.yield %add3A_148 : vector<16xi32>
    }
    %scan3A_63 = arith.constant 512 : i32
    %add3A_64 = arith.constant 98304 : i32
    %add3A_65 = arith.addi %mul3A_2, %add3A_64 : i32
    %dma_start3A_66 = arith.constant 1 : i32
    %dma_start3A_67 = arith.constant 0 : i32
    %dma_start3A_68 = tpu.memref_slice %arg4[%dma_start3A_66, %dma_start3A_67] : memref<2x32768xi32, #tpu.memory_space<vmem>> -> memref<1x32768xi32, #tpu.memory_space<vmem>>
    %dma_start3A_69 = tpu.memref_squeeze %dma_start3A_68 : memref<1x32768xi32, #tpu.memory_space<vmem>> -> memref<32768xi32, #tpu.memory_space<vmem>>
    %dma_start3A_70 = tpu.memref_slice %arg2[%add3A_65] : memref<4194304xi32, #tpu.memory_space<hbm>> -> memref<32768xi32, #tpu.memory_space<hbm>>
    %dma_start3A_71 = arith.constant 0 : i32
    %dma_start3A_72 = tpu.memref_slice %arg4[%dma_start3A_66, %dma_start3A_71] : memref<2x32768xi32, #tpu.memory_space<vmem>> -> memref<1x32768xi32, #tpu.memory_space<vmem>>
    %dma_start3A_73 = tpu.memref_squeeze %dma_start3A_72 : memref<1x32768xi32, #tpu.memory_space<vmem>> -> memref<32768xi32, #tpu.memory_space<vmem>>
    %dma_start3A_74 = tpu.memref_slice %arg2[%add3A_65] : memref<4194304xi32, #tpu.memory_space<hbm>> -> memref<32768xi32, #tpu.memory_space<hbm>>
    tpu.enqueue_dma source(%dma_start3A_74 : memref<32768xi32, #tpu.memory_space<hbm>>) target(%dma_start3A_73 : memref<32768xi32, #tpu.memory_space<vmem>>) target_semaphore(%arg7 : memref<!tpu.dma_semaphore, #tpu.memory_space<semaphore_mem>>)
    %dma_wait3A_75 = arith.constant 0 : i32
    %dma_wait3A_76 = arith.constant 0 : i32
    %dma_wait3A_77 = tpu.memref_slice %arg4[%dma_wait3A_75, %dma_wait3A_76] : memref<2x32768xi32, #tpu.memory_space<vmem>> -> memref<1x32768xi32, #tpu.memory_space<vmem>>
    %dma_wait3A_78 = tpu.memref_squeeze %dma_wait3A_77 : memref<1x32768xi32, #tpu.memory_space<vmem>> -> memref<32768xi32, #tpu.memory_space<vmem>>
    %dma_wait3A_79 = tpu.memref_slice %arg2[%add3A_39] : memref<4194304xi32, #tpu.memory_space<hbm>> -> memref<32768xi32, #tpu.memory_space<hbm>>
    %dma_wait3A_80 = arith.constant 0 : i32
    %dma_wait3A_81 = tpu.memref_slice %arg4[%dma_wait3A_75, %dma_wait3A_80] : memref<2x32768xi32, #tpu.memory_space<vmem>> -> memref<1x32768xi32, #tpu.memory_space<vmem>>
    %dma_wait3A_82 = tpu.memref_squeeze %dma_wait3A_81 : memref<1x32768xi32, #tpu.memory_space<vmem>> -> memref<32768xi32, #tpu.memory_space<vmem>>
    %dma_wait3A_83 = tpu.memref_slice %arg2[%add3A_39] : memref<4194304xi32, #tpu.memory_space<hbm>> -> memref<32768xi32, #tpu.memory_space<hbm>>
    tpu.wait_dma2 semaphore(%arg6 : memref<!tpu.dma_semaphore, #tpu.memory_space<semaphore_mem>>) src(%dma_wait3A_83 : memref<32768xi32, #tpu.memory_space<hbm>>) dst(%dma_wait3A_82 : memref<32768xi32, #tpu.memory_space<vmem>>)
    %scan3A_84 = arith.constant 0 : i32
    %scan3A_85 = arith.constant 512 : i32
    %scan3A_86 = arith.addi %scan3A_84, %scan3A_85 : i32
    %scan3A_87 = arith.constant 1 : i32
    %scan3A_88 = scf.for %scan3A_106 = %scan3A_84 to %scan3A_86 step %scan3A_87 iter_args(%scan3A_107 = %scan3A_62) -> (vector<16xi32>)  : i32 {
      %mul3A_108 = arith.constant 4 : i32
      %mul3A_109 = arith.muli %scan3A_106, %mul3A_108 : i32
      %mul3A_110 = arith.constant 16 : i32
      %mul3A_111 = arith.muli %mul3A_109, %mul3A_110 : i32
      %get3A = arith.constant 0 : i32
      %get3A_112 = arith.index_cast %get3A : i32 to index
      %get3A_113 = arith.index_cast %mul3A_111 : i32 to index
      %get3A_114 = tpu.vector_load %arg4[%get3A_112, %get3A_113] {strides = array<i32>} : memref<2x32768xi32, #tpu.memory_space<vmem>>, vector<16xi32>,
      %mul3A_115 = arith.constant 4 : i32
      %mul3A_116 = arith.muli %scan3A_106, %mul3A_115 : i32
      %add3A_117 = arith.constant 1 : i32
      %add3A_118 = arith.addi %mul3A_116, %add3A_117 : i32
      %mul3A_119 = arith.constant 16 : i32
      %mul3A_120 = arith.muli %add3A_118, %mul3A_119 : i32
      %get3A_121 = arith.constant 0 : i32
      %get3A_122 = arith.index_cast %get3A_121 : i32 to index
      %get3A_123 = arith.index_cast %mul3A_120 : i32 to index
      %get3A_124 = tpu.vector_load %arg4[%get3A_122, %get3A_123] {strides = array<i32>} : memref<2x32768xi32, #tpu.memory_space<vmem>>, vector<16xi32>,
      %mul3A_125 = arith.constant 4 : i32
      %mul3A_126 = arith.muli %scan3A_106, %mul3A_125 : i32
      %add3A_127 = arith.constant 2 : i32
      %add3A_128 = arith.addi %mul3A_126, %add3A_127 : i32
      %mul3A_129 = arith.constant 16 : i32
      %mul3A_130 = arith.muli %add3A_128, %mul3A_129 : i32
      %get3A_131 = arith.constant 0 : i32
      %get3A_132 = arith.index_cast %get3A_131 : i32 to index
      %get3A_133 = arith.index_cast %mul3A_130 : i32 to index
      %get3A_134 = tpu.vector_load %arg4[%get3A_132, %get3A_133] {strides = array<i32>} : memref<2x32768xi32, #tpu.memory_space<vmem>>, vector<16xi32>,
      %mul3A_135 = arith.constant 4 : i32
      %mul3A_136 = arith.muli %scan3A_106, %mul3A_135 : i32
      %add3A_137 = arith.constant 3 : i32
      %add3A_138 = arith.addi %mul3A_136, %add3A_137 : i32
      %mul3A_139 = arith.constant 16 : i32
      %mul3A_140 = arith.muli %add3A_138, %mul3A_139 : i32
      %get3A_141 = arith.constant 0 : i32
      %get3A_142 = arith.index_cast %get3A_141 : i32 to index
      %get3A_143 = arith.index_cast %mul3A_140 : i32 to index
      %get3A_144 = tpu.vector_load %arg4[%get3A_142, %get3A_143] {strides = array<i32>} : memref<2x32768xi32, #tpu.memory_space<vmem>>, vector<16xi32>,
      %add3A_145 = arith.addi %get3A_114, %get3A_124 : vector<16xi32>
      %add3A_146 = arith.addi %get3A_134, %get3A_144 : vector<16xi32>
      %add3A_147 = arith.addi %add3A_145, %add3A_146 : vector<16xi32>
      %add3A_148 = arith.addi %scan3A_107, %add3A_147 : vector<16xi32>
      scf.yield %add3A_148 : vector<16xi32>
    }
    %scan3A_89 = arith.constant 512 : i32
    %dma_wait3A_90 = arith.constant 1 : i32
    %dma_wait3A_91 = arith.constant 0 : i32
    %dma_wait3A_92 = tpu.memref_slice %arg4[%dma_wait3A_90, %dma_wait3A_91] : memref<2x32768xi32, #tpu.memory_space<vmem>> -> memref<1x32768xi32, #tpu.memory_space<vmem>>
    %dma_wait3A_93 = tpu.memref_squeeze %dma_wait3A_92 : memref<1x32768xi32, #tpu.memory_space<vmem>> -> memref<32768xi32, #tpu.memory_space<vmem>>
    %dma_wait3A_94 = tpu.memref_slice %arg2[%add3A_65] : memref<4194304xi32, #tpu.memory_space<hbm>> -> memref<32768xi32, #tpu.memory_space<hbm>>
    %dma_wait3A_95 = arith.constant 0 : i32
    %dma_wait3A_96 = tpu.memref_slice %arg4[%dma_wait3A_90, %dma_wait3A_95] : memref<2x32768xi32, #tpu.memory_space<vmem>> -> memref<1x32768xi32, #tpu.memory_space<vmem>>
    %dma_wait3A_97 = tpu.memref_squeeze %dma_wait3A_96 : memref<1x32768xi32, #tpu.memory_space<vmem>> -> memref<32768xi32, #tpu.memory_space<vmem>>
    %dma_wait3A_98 = tpu.memref_slice %arg2[%add3A_65] : memref<4194304xi32, #tpu.memory_space<hbm>> -> memref<32768xi32, #tpu.memory_space<hbm>>
    tpu.wait_dma2 semaphore(%arg7 : memref<!tpu.dma_semaphore, #tpu.memory_space<semaphore_mem>>) src(%dma_wait3A_98 : memref<32768xi32, #tpu.memory_space<hbm>>) dst(%dma_wait3A_97 : memref<32768xi32, #tpu.memory_space<vmem>>)
    %scan3A_99 = arith.constant 0 : i32
    %scan3A_100 = arith.constant 512 : i32
    %scan3A_101 = arith.addi %scan3A_99, %scan3A_100 : i32
    %scan3A_102 = arith.constant 1 : i32
    %scan3A_103 = scf.for %scan3A_106 = %scan3A_99 to %scan3A_101 step %scan3A_102 iter_args(%scan3A_107 = %scan3A_88) -> (vector<16xi32>)  : i32 {
      %mul3A_108 = arith.constant 4 : i32
      %mul3A_109 = arith.muli %scan3A_106, %mul3A_108 : i32
      %mul3A_110 = arith.constant 16 : i32
      %mul3A_111 = arith.muli %mul3A_109, %mul3A_110 : i32
      %get3A = arith.constant 1 : i32
      %get3A_112 = arith.index_cast %get3A : i32 to index
      %get3A_113 = arith.index_cast %mul3A_111 : i32 to index
      %get3A_114 = tpu.vector_load %arg4[%get3A_112, %get3A_113] {strides = array<i32>} : memref<2x32768xi32, #tpu.memory_space<vmem>>, vector<16xi32>,
      %mul3A_115 = arith.constant 4 : i32
      %mul3A_116 = arith.muli %scan3A_106, %mul3A_115 : i32
      %add3A_117 = arith.constant 1 : i32
      %add3A_118 = arith.addi %mul3A_116, %add3A_117 : i32
      %mul3A_119 = arith.constant 16 : i32
      %mul3A_120 = arith.muli %add3A_118, %mul3A_119 : i32
      %get3A_121 = arith.constant 1 : i32
      %get3A_122 = arith.index_cast %get3A_121 : i32 to index
      %get3A_123 = arith.index_cast %mul3A_120 : i32 to index
      %get3A_124 = tpu.vector_load %arg4[%get3A_122, %get3A_123] {strides = array<i32>} : memref<2x32768xi32, #tpu.memory_space<vmem>>, vector<16xi32>,
      %mul3A_125 = arith.constant 4 : i32
      %mul3A_126 = arith.muli %scan3A_106, %mul3A_125 : i32
      %add3A_127 = arith.constant 2 : i32
      %add3A_128 = arith.addi %mul3A_126, %add3A_127 : i32
      %mul3A_129 = arith.constant 16 : i32
      %mul3A_130 = arith.muli %add3A_128, %mul3A_129 : i32
      %get3A_131 = arith.constant 1 : i32
      %get3A_132 = arith.index_cast %get3A_131 : i32 to index
      %get3A_133 = arith.index_cast %mul3A_130 : i32 to index
      %get3A_134 = tpu.vector_load %arg4[%get3A_132, %get3A_133] {strides = array<i32>} : memref<2x32768xi32, #tpu.memory_space<vmem>>, vector<16xi32>,
      %mul3A_135 = arith.constant 4 : i32
      %mul3A_136 = arith.muli %scan3A_106, %mul3A_135 : i32
      %add3A_137 = arith.constant 3 : i32
      %add3A_138 = arith.addi %mul3A_136, %add3A_137 : i32
      %mul3A_139 = arith.constant 16 : i32
      %mul3A_140 = arith.muli %add3A_138, %mul3A_139 : i32
      %get3A_141 = arith.constant 1 : i32
      %get3A_142 = arith.index_cast %get3A_141 : i32 to index
      %get3A_143 = arith.index_cast %mul3A_140 : i32 to index
      %get3A_144 = tpu.vector_load %arg4[%get3A_142, %get3A_143] {strides = array<i32>} : memref<2x32768xi32, #tpu.memory_space<vmem>>, vector<16xi32>,
      %add3A_145 = arith.addi %get3A_114, %get3A_124 : vector<16xi32>
      %add3A_146 = arith.addi %get3A_134, %get3A_144 : vector<16xi32>
      %add3A_147 = arith.addi %add3A_145, %add3A_146 : vector<16xi32>
      %add3A_148 = arith.addi %scan3A_107, %add3A_147 : vector<16xi32>
      scf.yield %add3A_148 : vector<16xi32>
    }
    %scan3A_104 = arith.constant 512 : i32
    %swap3A = arith.constant 0 : index
    %swap3A_105 = tpu.vector_load %arg5[%swap3A] {strides = array<i32>} : memref<16xi32, #tpu.memory_space<vmem>>, vector<16xi32>,
    tpu.vector_store %arg5[%swap3A], %scan3A_103 {strides = array<i32>} : memref<16xi32, #tpu.memory_space<vmem>>, vector<16xi32>,
    "tpu.region"() ({
      %run_scoped3A = tpu.sem_alloc : memref<!tpu.dma_semaphore, #tpu.memory_space<semaphore_mem>>
      %dma_start3A_106 = arith.constant 0 : i32
      %dma_start3A_107 = tpu.memref_slice %arg3[%add3A, %dma_start3A_106] : memref<32x16xi32, #tpu.memory_space<hbm>> -> memref<1x16xi32, #tpu.memory_space<hbm>>
      %dma_start3A_108 = tpu.memref_squeeze %dma_start3A_107 : memref<1x16xi32, #tpu.memory_space<hbm>> -> memref<16xi32, #tpu.memory_space<hbm>>
      %dma_start3A_109 = arith.constant 0 : i32
      %dma_start3A_110 = tpu.memref_slice %arg3[%add3A, %dma_start3A_109] : memref<32x16xi32, #tpu.memory_space<hbm>> -> memref<1x16xi32, #tpu.memory_space<hbm>>
      %dma_start3A_111 = tpu.memref_squeeze %dma_start3A_110 : memref<1x16xi32, #tpu.memory_space<hbm>> -> memref<16xi32, #tpu.memory_space<hbm>>
      tpu.enqueue_dma source(%arg5 : memref<16xi32, #tpu.memory_space<vmem>>) target(%dma_start3A_111 : memref<16xi32, #tpu.memory_space<hbm>>) target_semaphore(%run_scoped3A : memref<!tpu.dma_semaphore, #tpu.memory_space<semaphore_mem>>)
      %dma_wait3A_112 = arith.constant 0 : i32
      %dma_wait3A_113 = tpu.memref_slice %arg3[%add3A, %dma_wait3A_112] : memref<32x16xi32, #tpu.memory_space<hbm>> -> memref<1x16xi32, #tpu.memory_space<hbm>>
      %dma_wait3A_114 = tpu.memref_squeeze %dma_wait3A_113 : memref<1x16xi32, #tpu.memory_space<hbm>> -> memref<16xi32, #tpu.memory_space<hbm>>
      %dma_wait3A_115 = arith.constant 0 : i32
      %dma_wait3A_116 = tpu.memref_slice %arg3[%add3A, %dma_wait3A_115] : memref<32x16xi32, #tpu.memory_space<hbm>> -> memref<1x16xi32, #tpu.memory_space<hbm>>
      %dma_wait3A_117 = tpu.memref_squeeze %dma_wait3A_116 : memref<1x16xi32, #tpu.memory_space<hbm>> -> memref<16xi32, #tpu.memory_space<hbm>>
      tpu.wait_dma2 semaphore(%run_scoped3A : memref<!tpu.dma_semaphore, #tpu.memory_space<semaphore_mem>>) src(%arg5 : memref<16xi32, #tpu.memory_space<vmem>>) dst(%dma_wait3A_117 : memref<16xi32, #tpu.memory_space<hbm>>)
      tpu.yield
    }) : () -> ()
    return
  }
}

</mosaic_0001>

<sc_bundles>
// kernel: kernel.4.cloned.1.call-start
scs
__scs_entry_jumppad:
0x0: {  	(pc) =	sbr.rel $0x88, $3  }
0x1: {  	(tag) =	ssettag $0x0;
	lr =	simm.s32 $0x1  }
0x2: {  	[smem:$0x3FA0] =	sst lr;
	_ =	strace $0xD0000000  }
0x3: {  	_ = 	snop  }
0x4: {  	_ = 	snop  }
0x5: {  	_ = 	snop  }
0x6: {  	_ = 	snop  }
0x7: {  	_ = 	snop  }
__scs_overlays_trampoline_lowered:
0x8: {  	[smem:$0x3FAF] =	sst s0  }
0x9: {  	[smem:$0x3FB0] =	sst s1  }
0xa: {  	[smem:$0x3FB1] =	sst s2  }
0xb: {  	[smem:$0x3FB2] =	sst s3  }
0xc: {  	[smem:$0x3FB3] =	sst s4  }
0xd: {  	[smem:$0x3FB4] =	sst s5  }
0xe: {  	[smem:$0x3FB5] =	sst s6  }
0xf: {  	[smem:$0x3FB6] =	sst s7  }
0x10: {  	[smem:$0x3FB7] =	sst s8  }
0x11: {  	[smem:$0x3FB8] =	sst s9;
	s0 =	simm.s32 @!p0 $0x0  }
0x12: {  	s1 =	sld [smem:$0x3F9E];
	s0 =	simm.s32 @p0 $0x1  }
0x13: {  	[smem:$0x3FB9] =	sst s0;
	s0 =	simm.s32 @!p1 $0x0  }
0x14: {  	s2 =	sld [smem:$0x3F9D];
	s0 =	simm.s32 @p1 $0x1  }
0x15: {  	[smem:$0x3FBA] =	sst s0;
	s0 =	simm.s32 @!p2 $0x0  }
0x16: {  	s3 =	sld [smem:$0x3FDB];
	s0 =	simm.s32 @p2 $0x1  }
0x17: {  	s4 =	simm.s32 $0x1BF5;
	[smem:$0x3FBC] =	sst s0  }
0x18: {  	s0 =	sld [smem:$0x3F9F];
	_ =	swait.ge [sflag:s4], $0x0  }
0x19: {  	s7 =	sld [smem:$0x3FA0]  }
0x1a: {  	s8 =	sadd.s32 $0xFFFFE003, lr  }
0x1b: {  	s9 =	sadd.s32 $0xFFFFFEF7, lr;
	s5 =	simm.s32 $0xFFFFFFFF;
	p2 =	slt.u32 s8, $0xFFFFF086  }
0x1c: {  	p1 =	slt.u32 s9, $0xF7A;
	s5 =	simm.s32 @!p2 $0x0  }
0x1d: {  	s5 =	simm.s32 @p1 $0x1;
	p0 =	seq.s32 s7, s2  }
0x1e: {  	s7 =	smul.u32 @!p0 $0xF7A, s2;
	p2 =	seq.s32 @!p0 s5, $0x0  }
0x1f: {  	s9 =	smul.u32 $0xF7A, s1;
	s8 =	simm.s32 @!p0 $0x1BF5;
	p2 =	por !p2, p0  }
0x20: {  	[sflag:s8] =	ssyncset.s32 @!p0 $0xFFFFF086;
	s6 =	sadd.s32 @!p0 s3, s7;
	s7 =	simm.s32 @!p0 $0x108  }
0x21: {  	s3 =	sadd.s32 s3, s9;
	s6 =	sadd.s32 @!p0 $0x88, s6;
	s7 =	simm.s32 @p2 $0x1082  }
0x22: {  	[simem:s7], [sflag:s8] =	dma.local @!p0 [hbm:s6], $0xF7A  }
0x23: {  	s9 =	sor.u32 $0xD0000000, s2;
	s6 =	simm.s32 $0x108;
	_ =	swait.ge @!p0 [sflag:s8], $0x0  }
0x24: {  	s3 =	sadd.s32 $0x88, s3;
	s6 =	simm.s32 @!p1 $0x1082;
	[sflag:s4] =	ssyncset.s32 $0xFFFFF086  }
0x25: {  	[simem:s6], [sflag:s4] =	dma.local [hbm:s3], $0xF7A  }
0x26: {  	[smem:$0x3FA0] =	sst s1;
	(tag) =	ssettag s2;
	_ =	strace s9  }
0x27: {  	s1 =	sld [smem:$0x3FB0]  }
0x28: {  	s2 =	sld [smem:$0x3FB1]  }
0x29: {  	s4 =	sld [smem:$0x3FB3]  }
0x2a: {  	p0 =	seq.s32 s5, $0x0;
	s5 =	sld [smem:$0x3FB4]  }
0x2b: {  	s6 =	sld [smem:$0x3FB5]  }
0x2c: {  	s7 =	sld [smem:$0x3FB6]  }
0x2d: {  	s3 =	simm.s32 $0x108;
	s8 =	sld [smem:$0x3FB7]  }
0x2e: {  	s3 =	simm.s32 @!p0 $0x1082;
	s9 =	sld [smem:$0x3FB8]  }
0x2f: {  	lr =	sadd.s32 s0, s3;
	s0 =	sld [smem:$0x3FAF]  }
0x30: {  	s3 =	sld [smem:$0x3FB2]  }
0x31: {  	[smem:$0x3FBB] =	sst s10  }
0x32: {  	s10 =	sld [smem:$0x3FB9];
	_ =	sdelay $0x3  }
0x33: {  	p0 =	seq.s32 s10, $0x1;
	s10 =	sld [smem:$0x3FBB];
	_ =	sdelay $0x3  }
0x34: {  	[smem:$0x3FBB] =	sst s10  }
0x35: {  	s10 =	sld [smem:$0x3FBA];
	_ =	sdelay $0x3  }
0x36: {  	p1 =	seq.s32 s10, $0x1;
	s10 =	sld [smem:$0x3FBB];
	_ =	sdelay $0x3  }
0x37: {  	[smem:$0x3FBB] =	sst s10  }
0x38: {  	s10 =	sld [smem:$0x3FBC]  }
0x39: {  	_ = 	snop;
	(pc) =	sbr.ind lr, $3  }
0x3a: {  	_ = 	snop  }
0x3b: {  	_ = 	snop  }
0x3c: {  	p2 =	seq.s32 s10, $0x1;
	s10 =	sld [smem:$0x3FBB]  }
0x3d: {  	_ =	shalt  }
0x3e: {  	_ =	shalt  }
0x3f: {  	_ =	shalt  }
0x40: {  	_ =	shalt  }
0x41: {  	_ =	shalt  }
0x42: {  	_ =	shalt  }
0x43: {  	_ =	shalt  }
0x44: {  	_ =	shalt  }
0x45: {  	_ =	shalt  }
0x46: {  	_ =	shalt  }
0x47: {  	_ =	shalt  }
0x48: {  	_ =	shalt  }
0x49: {  	_ =	shalt  }
0x4a: {  	_ =	shalt  }
0x4b: {  	_ =	shalt  }
0x4c: {  	_ =	shalt  }
0x4d: {  	_ =	shalt  }
0x4e: {  	_ =	shalt  }
0x4f: {  	_ =	shalt  }
0x50: {  	_ =	shalt  }
0x51: {  	_ =	shalt  }
0x52: {  	_ =	shalt  }
0x53: {  	_ =	shalt  }
0x54: {  	_ =	shalt  }
0x55: {  	_ =	shalt  }
0x56: {  	_ =	shalt  }
0x57: {  	_ =	shalt  }
0x58: {  	_ =	shalt  }
0x59: {  	_ =	shalt  }
0x5a: {  	_ =	shalt  }
0x5b: {  	_ =	shalt  }
0x5c: {  	_ =	shalt  }
0x5d: {  	_ =	shalt  }
0x5e: {  	_ =	shalt  }
0x5f: {  	_ =	shalt  }
0x60: {  	_ =	shalt  }
0x61: {  	_ =	shalt  }
0x62: {  	_ =	shalt  }
0x63: {  	_ =	shalt  }
0x64: {  	_ =	shalt  }
0x65: {  	_ =	shalt  }
0x66: {  	_ =	shalt  }
0x67: {  	_ =	shalt  }
0x68: {  	_ =	shalt  }
0x69: {  	_ =	shalt  }
0x6a: {  	_ =	shalt  }
0x6b: {  	_ =	shalt  }
0x6c: {  	_ =	shalt  }
0x6d: {  	_ =	shalt  }
0x6e: {  	_ =	shalt  }
0x6f: {  	_ =	shalt  }
0x70: {  	_ =	shalt  }
0x71: {  	_ =	shalt  }
0x72: {  	_ =	shalt  }
0x73: {  	_ =	shalt  }
0x74: {  	_ =	shalt  }
0x75: {  	_ =	shalt  }
0x76: {  	_ =	shalt  }
0x77: {  	_ =	shalt  }
0x78: {  	_ =	shalt  }
0x79: {  	_ =	shalt  }
0x7a: {  	_ =	shalt  }
0x7b: {  	_ =	shalt  }
0x7c: {  	_ =	shalt  }
0x7d: {  	_ =	shalt  }
0x7e: {  	_ =	shalt  }
0x7f: {  	_ =	shalt  }
0x80: {  	_ =	shalt  }
0x81: {  	_ =	shalt  }
0x82: {  	_ =	shalt  }
0x83: {  	_ =	shalt  }
0x84: {  	_ =	shalt  }
0x85: {  	_ =	shalt  }
0x86: {  	_ =	shalt  }
0x87: {  	_ =	shalt  }
.Lfunc_end0:
.L_simem_size_0:
called_computation_lowered:
.L_overlay_start_0:
0x88: {  	s2 =	sld [smem:$0x3FD9]  }
0x89: {  	s3 =	sld [smem:$0x3FFE];
	_ =	sdelay $0x1  }
0x8a: {  	s1 =	srdreg.scid  }
0x8b: {  	s0 =	sand.u32 $0x1, s1  }
0x8c: {  	s16 =	sshll.u32 s0, $0xA;
	s2 =	sadd.s32 s3, s2  }
0x8d: {  	s2 =	sadd.s32 s2, s16  }
0x8e: {  	[smem:$0x3FC7] =	sst s2  }
0x8f: {  	_ = 	snop  }
0x90: {  	(tm) =	ssettm $0x1  }
0x91: {  	s17 =	sld [smem:$0x3FFB];
	_ =	sdelay $0x3  }
0x92: {  	_ =	strace s17  }
0x93: {  	s2 =	sld [smem:$0x3FFC];
	_ =	sdelay $0x3  }
0x94: {  	_ =	strace s2  }
0x95: {  	s2 =	sld [smem:$0x3FFD];
	_ =	sdelay $0x3  }
0x96: {  	_ =	strace s2  }
0x97: {  	_ =	strace $0x8FFFFFFF  }
0x98: {  	s18 =	sld [smem:$0x3FDB];
	_ =	sdelay $0x1  }
0x99: {  	s19 =	simm.s32 $_scs_section_size  }
0x9a: {  	s4 =	simm.s32 $_size__tile_overlayer_lowered;
	s5 =	simm.s32 $_tile_overlayer_lowered  }
0x9b: {  	s22 =	simm.s32 $0x1BFF;
	s21 =	sshll.u32 s5, $0x1;
	s2 =	sadd.s32 s19, s18  }
0x9c: {  	s6 =	simm.s32 $0x0;
	s20 =	sshll.u32 s4, $0x1;
	s4 =	sadd.s32 s21, s2  }
0x9d: {  	[timem:s6], [sflag:s22] =	dma.local [hbm:s4], s20  }
0x9e: {  	_ =	swait.ge [sflag:s22], s20  }
0x9f: {  	s3 =	ssub.s32 $0x0, s20;
	[sflag:s22] =	ssyncset.done $0x0  }
0xa0: {  	[sflag:s22] =	ssyncadd.s32 s3;
	_ =	sdelay $0x1  }
0xa1: {  	s23 =	simm.s32 $0x1B8B  }
0xa2: {  	_ =	swait.ge [sflag:s23], $0x1  }
0xa3: {  	[sflag:s23] =	ssyncset.done $0x0  }
0xa4: {  	s25 =	simm.s32 $0x1B8E;
	s24 =	sld [smem:$0x3FFE];
	[sflag:s23] =	ssyncadd.s32 $0xFFFFFFFF  }
0xa5: {  	s26 =	simm.s32 $execute0_lowered;
	[smem:$0x3FD2] =	sst s25  }
0xa6: {  	s4 =	sshll.u32 s26, $0x1;
	_ =	strace $0x80000046;
	[dreg:$0x1] =	wrdreg $0xFFFFFFFF  }
0xa7: {  	s28 =	simm.s32 $_size_execute0_lowered;
	s2 =	sadd.s32 s2, s4;
	[dreg:$0x0] =	wrdreg $0x0  }
0xa8: {  	s4 =	sshll.u32 s28, $0x1;
	[dreg:$0x2] =	wrdreg s2  }
0xa9: {  	[dreg:$0x3] =	wrdreg s4  }
0xaa: {  	[dreg:$0x4] =	wrdreg $0xC0  }
0xab: {  	_ =	task [dreg:s6], $0x5FFFF  }
0xac: {  	[dreg:$0x1] =	wrdreg $0xFFFFFFFF  }
0xad: {  	[dreg:$0x0] =	wrdreg $0x60  }
0xae: {  	[dreg:$0x2] =	wrdreg s24  }
0xaf: {  	[dreg:$0x3] =	wrdreg $0x9  }
0xb0: {  	_ =	task.clear_ibuf [dreg:s6], $0x4FFFF;
	_ =	strace $0x90000046  }
0xb1: {  	s29 =	simm.s32 $0x9;
	_ =	strace $0x80000048  }
0xb2: {  	_ =	swait.ge [sflag:s29], $0x1  }
0xb3: {  	[sflag:s29] =	ssyncadd.s32 $0xFFFFFFFF  }
0xb4: {  	_ =	strace $0x90000048  }
0xb5: {  	_ =	sfence  }
0xb6: {  	s30 =	sld [smem:$0x0];
	_ =	sdelay $0x2  }
0xb7: {  	s31 =	sshll.u32 s1, $0xD;
	s1 =	sshrl.u32 s1, $0x2  }
0xb8: {  	s3 =	sand.u32 $0x4000, s31;
	s1 =	sadd.s32 s1, s30  }
0xb9: {  	s0 =	sor.u32 s3, s0;
	s1 =	sshll.u32 s1, $0x11  }
0xba: {  	s0 =	sor.u32 s1, s0  }
0xbb: {  	s0 =	sadd.s32 $0x8F2B, s0  }
0xbc: {  	[sflag:s0] =	ssyncadd.remote.s32 $0x1  }
0xbd: {  	_ =	sfence.sel $0xFFFF  }
0xbe: {  	[dreg:$0x0] =	wrdreg $0xFFFFFFFF;
	(pc) =	sbr.abs _section_cstart, $3  }
0xbf: {  	[dreg:$0x1] =	wrdreg $0xFFFFFFFF  }
0xc0: {  	_ =	task.clear_ibuf [dreg:s6], $0x2FFFF;
	_ =	strace $0x9FFFFFFF  }
0xc1: {  	(tm) =	ssettm $0x7FFFFFFF  }
tec
execute0_lowered:
.L_overlay_start_1:
0x0: {  	(tag) =	ssettag $0x1  }
0x1: {  	s3 =	rddreg [dreg:$0x0];
	s1 =	srdreg.scid  }
0x2: {  	s0 =	rddreg [dreg:$0x1];
	s2 =	simm.s32 $0x0;
	s9 =	simm.s32 $0x1  }
0x3: {  	s10 =	simm.s32 $0x2;
	s11 =	simm.s32 $0x10000;
	s12 =	simm.s32 $0x3  }
0x4: {  	s13 =	simm.s32 $0x0;
	s4 =	sand.u32 $0x1, s1;
	[smem:$0x7FF] =	sst s2  }
0x5: {  	s1 =	stileid.u32;
	s5 =	sshll.u32 s4, $0x4;
	_ =	strace $0x80000047  }
0x6: {  	s7 =	sshll.u32 s1, $0x4;
	s4 =	ssub.s32 $0x2, s4;
	s5 =	sor.u32 s1, s5  }
0x7: {  	s7 =	sand.u32 $0x70, s7;
	s8 =	sshrl.u32 s4, $0x1;
	s6 =	sshll.u32 s5, $0xE  }
0x8: {  	s5 =	sshll.u32 s5, $0x4;
	s7 =	sadd.s32 s7, s3;
	s8 =	ssub.s32 s4, s8  }
0x9: {  	s6 =	sadd.s32 s6, s3;
	s5 =	sand.u32 $0x180, s5;
	s8 =	smax.u32 s8, $0x1  }
0xa: {  	s3 =	sadd.s32 $0x800, s6;
	s4 =	sadd.s32 $0x1800, s6;
	s7 =	sadd.s32 s5, s7  }
0xb: {  	s5 =	sadd.s32 $0x2800, s6;
	s6 =	sadd.s32 $0x3800, s6;
	s7 =	sadd.s32 $0x80800, s7  }
.LBB2_1:
0xc: {  	s14 =	simm.s32 $0x10  }
0xd: {  	s17 =	sadd.s32 $0x0, s3;
	s15 =	simm.s32 $0x100;
	s16 =	simm.s32 $0x0  }
.LBB2_2:
0xe: {  	[tilespmem:s16], [sflag:$0x1] =	stream.linear.gather [hbm4b:s17+s2], $0x80, $0x38;
	[tilespmem:$0x10080] =	vst v63  }
0xf: {  	s17 =	smov.u32 s14;
	s16 =	smov.u32 s15;
	p0 =	sne.s32 s14, $0xFF0  }
.Ltmp0:
0x10: {  	s14 =	sadd.s32 $0x10, s14;
	(pc) =	sbr.rel @p0 .LBB2_2-.Ltmp0, $2  }
0x11: {  	_ =	sdelay $0x2  }
0x12: {  	s15 =	sadd.s32 $0x100, s15;
	s17 =	sadd.s32 s17, s3  }
0x13: {  	[tilespmem:s16], [sflag:$0x1] =	stream.linear.gather [hbm4b:s17+s2], $0x80, $0x38;
	[tilespmem:$0x10080] =	vst v63  }
0x14: {  	s14 =	simm.s32 $0x80  }
0x15: {  	s15 =	simm.s32 $0x10;
	s17 =	sadd.s32 $0x0, s4;
	s16 =	simm.s32 $0x180  }
.LBB2_4:
0x16: {  	[tilespmem:s14], [sflag:$0x2] =	stream.linear.gather [hbm4b:s17+s2], $0x80, $0x38;
	[tilespmem:$0x10080] =	vst v63  }
0x17: {  	s17 =	smov.u32 s15;
	s14 =	smov.u32 s16;
	p0 =	sne.s32 s15, $0xFF0  }
.Ltmp1:
0x18: {  	s15 =	sadd.s32 $0x10, s15;
	(pc) =	sbr.rel @p0 .LBB2_4-.Ltmp1, $2  }
0x19: {  	_ =	sdelay $0x2  }
0x1a: {  	s16 =	sadd.s32 $0x100, s16;
	s17 =	sadd.s32 s17, s4  }
0x1b: {  	[tilespmem:s14], [sflag:$0x2] =	stream.linear.gather [hbm4b:s17+s2], $0x80, $0x38;
	[tilespmem:$0x10080] =	vst v63  }
0x1c: {  	s14 =	simm.s32 $0x0;
	_ =	swait.ge [sflag:s9], $0x8000  }
0x1d: {  	s15 =	sand.u32 $0x40, s14;
	s16 =	sand.u32 $0xFF00, s14;
	[sflag:s9] =	ssyncset.done $0x0  }
0x1e: {  	s16 =	sor.u32 s15, s16;
	[sflag:s9] =	ssyncadd.s32 $0xFFFF8000  }
0x1f: {  	v0 =	vld [tilespmem:s16+$0x0]  }
0x20: {  	v1 =	vld [tilespmem:s16+$0x10]  }
0x21: {  	v3 =	vimm.s32 $0x0;
	s15 =	simm.s32 $0x40;
	v2 =	vld [tilespmem:s16+$0x20]  }
.LBB2_6:
0x22: {  	s17 =	sand.u32 $0x40, s15;
	v4 =	vld [tilespmem:s16+$0x30];
	s14 =	sadd.s32 $0x80, s14;
	p0 =	sne.s32 s15, $0x7FC0  }
.Ltmp2:
0x23: {  	s15 =	sadd.s32 $0x40, s15;
	s16 =	sand.u32 $0xFF00, s14;
	(pc) =	sbr.rel @p0 .LBB2_6-.Ltmp2, $4  }
0x24: {  	s16 =	sor.u32 s17, s16;
	v3 =	vadd.s32 v3, v0  }
0x25: {  	v0 =	vld [tilespmem:s16+$0x0];
	v3 =	vadd.s32 v1, v3  }
0x26: {  	v1 =	vld [tilespmem:s16+$0x10];
	v3 =	vadd.s32 v2, v3  }
0x27: {  	v2 =	vld [tilespmem:s16+$0x20];
	v3 =	vadd.s32 v4, v3  }
0x28: {  	v4 =	vld [tilespmem:s16+$0x30];
	_ =	sdelay $0x1  }
0x29: {  	v0 =	vadd.s32 v3, v0  }
0x2a: {  	v0 =	vadd.s32 v1, v0  }
0x2b: {  	s14 =	simm.s32 $0x0;
	v0 =	vadd.s32 v2, v0  }
0x2c: {  	s15 =	simm.s32 $0x10;
	s17 =	sadd.s32 $0x0, s5;
	s16 =	simm.s32 $0x100;
	v0 =	vadd.s32 v4, v0  }
.LBB2_8:
0x2d: {  	[tilespmem:s14], [sflag:$0x1] =	stream.linear.gather [hbm4b:s17+s2], $0x80, $0x38;
	[tilespmem:$0x10080] =	vst v63  }
0x2e: {  	s17 =	smov.u32 s15;
	s14 =	smov.u32 s16;
	p0 =	sne.s32 s15, $0xFF0  }
.Ltmp3:
0x2f: {  	s15 =	sadd.s32 $0x10, s15;
	(pc) =	sbr.rel @p0 .LBB2_8-.Ltmp3, $2  }
0x30: {  	_ =	sdelay $0x2  }
0x31: {  	s16 =	sadd.s32 $0x100, s16;
	s17 =	sadd.s32 s17, s5  }
0x32: {  	[tilespmem:s14], [sflag:$0x1] =	stream.linear.gather [hbm4b:s17+s2], $0x80, $0x38;
	[tilespmem:$0x10080] =	vst v63  }
0x33: {  	p0 =	por $0x0, $0x0;
	s14 =	simm.s32 $0x1  }
0x34: {  	s14 =	simm.s32 @!p0 $0x0  }
0x35: {  	_ =	swait.ge [sflag:s10], $0x8000;
	s14 =	sshll.u32 s14, $0x6  }
0x36: {  	[sflag:s10] =	ssyncset.done $0x0;
	s14 =	sadd.s32 $0x0, s14  }
0x37: {  	[sflag:s10] =	ssyncadd.s32 $0xFFFF8000;
	s15 =	sor.u32 $0x80, s14  }
0x38: {  	s28 =	sor.u32 $0x90, s14;
	v3 =	vld [tilespmem:s15+$0x0]  }
0x39: {  	s16 =	simm.s32 $0x1;
	p0 =	por !p0, !p0;
	v4 =	vld [tilespmem:s28+$0x0]  }
0x3a: {  	s16 =	simm.s32 @!p0 $0x0;
	s29 =	sor.u32 $0xA0, s14  }
0x3b: {  	s16 =	sshll.u32 s16, $0x6;
	s30 =	sor.u32 $0xB0, s14;
	v1 =	vld [tilespmem:s29+$0x0]  }
0x3c: {  	s15 =	sadd.s32 $0x80, s16;
	v2 =	vld [tilespmem:s30+$0x0]  }
0x3d: {  	p0 =	por !p0, !p0;
	s31 =	sor.u32 $0x80, s15;
	v3 =	vadd.s32 v0, v3  }
0x3e: {  	s14 =	simm.s32 $0x80;
	s16 =	simm.s32 $0x80;
	s17 =	sor.u32 $0x90, s15;
	v0 =	vld [tilespmem:s31+$0x0];
	v3 =	vadd.s32 v4, v3  }
.LBB2_10:
0x3f: {  	s18 =	simm.s32 $0x1  }
0x40: {  	v4 =	vld [tilespmem:s17+$0x0];
	s17 =	sor.u32 $0xA0, s15;
	v3 =	vadd.s32 v1, v3;
	p1 =	sne.s32 s14, $0x7FC0;
	s18 =	simm.s32 @!p0 $0x0  }
.Ltmp4:
0x41: {  	s14 =	sadd.s32 $0x40, s14;
	s15 =	sor.u32 $0xB0, s15;
	v3 =	vadd.s32 v2, v3;
	v1 =	vld [tilespmem:s17+$0x0];
	(pc) =	sbr.rel @p1 .LBB2_10-.Ltmp4, $4  }
0x42: {  	s16 =	sadd.s32 $0x80, s16;
	s17 =	sshll.u32 s18, $0x6;
	v2 =	vld [tilespmem:s15+$0x0]  }
0x43: {  	s15 =	sadd.s32 s17, s16  }
0x44: {  	s17 =	sor.u32 $0x80, s15;
	v3 =	vadd.s32 v3, v0  }
0x45: {  	p0 =	por !p0, !p0;
	v3 =	vadd.s32 v4, v3;
	v0 =	vld [tilespmem:s17+$0x0];
	s17 =	sor.u32 $0x90, s15  }
0x46: {  	v4 =	vld [tilespmem:s17+$0x0];
	s14 =	sor.u32 $0xA0, s15  }
0x47: {  	s31 =	sor.u32 $0xB0, s15;
	v5 =	vld [tilespmem:s14+$0x0]  }
0x48: {  	v1 =	vadd.s32 v1, v3;
	v3 =	vld [tilespmem:s31+$0x0]  }
0x49: {  	v1 =	vadd.s32 v2, v1  }
0x4a: {  	v0 =	vadd.s32 v1, v0  }
0x4b: {  	v0 =	vadd.s32 v4, v0  }
0x4c: {  	s15 =	simm.s32 $0x10;
	v0 =	vadd.s32 v5, v0  }
0x4d: {  	s17 =	sadd.s32 $0x0, s6;
	s16 =	simm.s32 $0x180;
	s14 =	simm.s32 $0x80;
	v0 =	vadd.s32 v3, v0  }
.LBB2_12:
0x4e: {  	[tilespmem:s14], [sflag:$0x2] =	stream.linear.gather [hbm4b:s17+s2], $0x80, $0x38;
	[tilespmem:$0x10080] =	vst v63  }
0x4f: {  	s17 =	smov.u32 s15;
	s14 =	smov.u32 s16;
	p0 =	sne.s32 s15, $0xFF0  }
.Ltmp5:
0x50: {  	s15 =	sadd.s32 $0x10, s15;
	(pc) =	sbr.rel @p0 .LBB2_12-.Ltmp5, $2  }
0x51: {  	_ =	sdelay $0x2  }
0x52: {  	s16 =	sadd.s32 $0x100, s16;
	s17 =	sadd.s32 s17, s6  }
0x53: {  	[tilespmem:s14], [sflag:$0x2] =	stream.linear.gather [hbm4b:s17+s2], $0x80, $0x38;
	[tilespmem:$0x10080] =	vst v63  }
0x54: {  	s14 =	simm.s32 $0x0;
	_ =	swait.ge [sflag:s9], $0x8000  }
0x55: {  	s15 =	sand.u32 $0x40, s14;
	s16 =	sand.u32 $0xFF00, s14;
	[sflag:s9] =	ssyncset.done $0x0  }
0x56: {  	s16 =	sor.u32 s15, s16;
	[sflag:s9] =	ssyncadd.s32 $0xFFFF8000  }
0x57: {  	v3 =	vld [tilespmem:s16+$0x0]  }
0x58: {  	v1 =	vld [tilespmem:s16+$0x10]  }
0x59: {  	s15 =	simm.s32 $0x40;
	v2 =	vld [tilespmem:s16+$0x20]  }
.LBB2_14:
0x5a: {  	s17 =	sand.u32 $0x40, s15;
	v4 =	vld [tilespmem:s16+$0x30];
	s14 =	sadd.s32 $0x80, s14;
	p0 =	sne.s32 s15, $0x7FC0  }
.Ltmp6:
0x5b: {  	s15 =	sadd.s32 $0x40, s15;
	s16 =	sand.u32 $0xFF00, s14;
	(pc) =	sbr.rel @p0 .LBB2_14-.Ltmp6, $4  }
0x5c: {  	s16 =	sor.u32 s17, s16;
	v0 =	vadd.s32 v0, v3  }
0x5d: {  	v3 =	vld [tilespmem:s16+$0x0];
	v0 =	vadd.s32 v1, v0  }
0x5e: {  	v1 =	vld [tilespmem:s16+$0x10];
	v0 =	vadd.s32 v2, v0  }
0x5f: {  	v2 =	vld [tilespmem:s16+$0x20];
	v0 =	vadd.s32 v4, v0  }
0x60: {  	p0 =	por $0x0, $0x0;
	s14 =	simm.s32 $0x1  }
0x61: {  	s14 =	simm.s32 @!p0 $0x0  }
0x62: {  	v4 =	vld [tilespmem:s16+$0x30];
	_ =	swait.ge [sflag:s10], $0x8000;
	s14 =	sshll.u32 s14, $0x6  }
0x63: {  	[sflag:s10] =	ssyncset.done $0x0;
	s14 =	sadd.s32 $0x0, s14  }
0x64: {  	[sflag:s10] =	ssyncadd.s32 $0xFFFF8000;
	s15 =	sor.u32 $0x80, s14  }
0x65: {  	v0 =	vadd.s32 v0, v3;
	s29 =	sor.u32 $0x90, s14;
	v5 =	vld [tilespmem:s15+$0x0]  }
0x66: {  	s16 =	simm.s32 $0x1;
	p0 =	por !p0, !p0;
	v0 =	vadd.s32 v1, v0;
	v3 =	vld [tilespmem:s29+$0x0]  }
0x67: {  	s16 =	simm.s32 @!p0 $0x0;
	v0 =	vadd.s32 v2, v0;
	s30 =	sor.u32 $0xA0, s14  }
0x68: {  	s16 =	sshll.u32 s16, $0x6;
	s17 =	sor.u32 $0xB0, s14;
	v2 =	vadd.s32 v4, v0;
	v0 =	vld [tilespmem:s30+$0x0]  }
0x69: {  	s15 =	sadd.s32 $0x80, s16;
	v1 =	vld [tilespmem:s17+$0x0]  }
0x6a: {  	p0 =	por !p0, !p0;
	s31 =	sor.u32 $0x80, s15;
	v4 =	vadd.s32 v2, v5  }
0x6b: {  	s14 =	simm.s32 $0x80;
	s16 =	simm.s32 $0x80;
	s17 =	sor.u32 $0x90, s15;
	v2 =	vld [tilespmem:s31+$0x0];
	v3 =	vadd.s32 v3, v4  }
.LBB2_16:
0x6c: {  	s18 =	simm.s32 $0x1  }
0x6d: {  	v4 =	vld [tilespmem:s17+$0x0];
	s17 =	sor.u32 $0xA0, s15;
	v3 =	vadd.s32 v0, v3;
	p1 =	sne.s32 s14, $0x7FC0;
	s18 =	simm.s32 @!p0 $0x0  }
.Ltmp7:
0x6e: {  	s14 =	sadd.s32 $0x40, s14;
	s15 =	sor.u32 $0xB0, s15;
	v3 =	vadd.s32 v1, v3;
	v0 =	vld [tilespmem:s17+$0x0];
	(pc) =	sbr.rel @p1 .LBB2_16-.Ltmp7, $4  }
0x6f: {  	s16 =	sadd.s32 $0x80, s16;
	s17 =	sshll.u32 s18, $0x6;
	v1 =	vld [tilespmem:s15+$0x0]  }
0x70: {  	s15 =	sadd.s32 s17, s16  }
0x71: {  	s17 =	sor.u32 $0x80, s15;
	v3 =	vadd.s32 v3, v2  }
0x72: {  	p0 =	por !p0, !p0;
	v3 =	vadd.s32 v4, v3;
	v2 =	vld [tilespmem:s17+$0x0];
	s17 =	sor.u32 $0x90, s15  }
0x73: {  	v4 =	vld [tilespmem:s17+$0x0];
	s14 =	sor.u32 $0xA0, s15  }
0x74: {  	s31 =	sor.u32 $0xB0, s15;
	v5 =	vld [tilespmem:s14+$0x0]  }
0x75: {  	v0 =	vadd.s32 v0, v3;
	v63 =	vld [tilespmem:s31+$0x0]  }
0x76: {  	v0 =	vadd.s32 v1, v0  }
0x77: {  	v0 =	vadd.s32 v0, v2  }
0x78: {  	v0 =	vadd.s32 v4, v0  }
0x79: {  	s13 =	sadd.s32 $0x1, s13;
	v0 =	vadd.s32 v5, v0  }
0x7a: {  	p0 =	sne.s32 s13, s8;
	v0 =	vadd.s32 v63, v0  }
.Ltmp8:
0x7b: {  	[tilespmem:$0x10000] =	vst v0;
	(pc) =	sbr.rel @p0 .LBB2_1-.Ltmp8, $4  }
0x7c: {  	[hbm4b:s7+s2] =	stream.linear.scatter [tilespmem:s11], [sflag:$0x3], $0x80, $0x38;
	[tilespmem:$0x10080] =	vst v63  }
0x7d: {  	_ =	swait.ge [sflag:s12], $0x80  }
0x7e: {  	[sflag:s12] =	ssyncset.done $0x0  }
0x7f: {  	[sflag:s12] =	ssyncadd.s32 $0xFFFFFF80  }
0x80: {  	_ =	sfence.sel $0x180000  }
0x81: {  	[bflag:$0x0] =	sbarrier.arrive $0xFFFF  }
0x82: {  	p0 =	sne.s32 s1, $0x0;
	_ =	strace $0x90000047  }
0x83: {  	s0 =	sadd.s32 @!p0 $0x100000, s0;
	[bflag:$0x2] =	sbarrier.arrive $0xFFFF  }
0x84: {  	[sflag:s0] =	ssyncadd.tile.s32 @!p0 $0x1;
	_ =	shalt  }
.Lfunc_end2:
_tile_overlayer_lowered:
.L_overlay_start_2:
0x85: {  	(tag) =	ssettag $0x2  }
0x86: {  	s0 =	rddreg [dreg:$0x0];
	s2 =	stileid.u32  }
0x87: {  	s1 =	rddreg [dreg:$0x1];
	p0 =	sne.s32 s2, $0x0  }
0x88: {  	s3 =	rddreg [dreg:$0x2];
	[bflag:$0x3] =	sbarrier.arrive $0xFFFF;
	s2 =	simm.s32 @!p0 $0x1C03  }
0x89: {  	[timem:s3], [sflag:s2] =	dma.local @!p0 [hbm:s0], s1  }
0x8a: {  	s0 =	simm.s32 @!p0 $0x3  }
0x8b: {  	_ =	swait.ge @!p0 [sflag:s0], s1  }
0x8c: {  	s1 =	ssub.s32 @!p0 $0x0, s1;
	[sflag:s0] =	ssyncset.done @!p0 $0x0  }
0x8d: {  	[sflag:s0] =	ssyncadd.s32 @!p0 s1  }
0x8e: {  	[bflag:$0x3] =	sbarrier.arrive $0xFFFF  }
0x8f: {  	_ =	shalt  }

// kernel: kernel.7.cloned.1.call-start
scs
__scs_entry_jumppad:
0x0: {  	(pc) =	sbr.rel $0x88, $3  }
0x1: {  	(tag) =	ssettag $0x0;
	lr =	simm.s32 $0x1  }
0x2: {  	[smem:$0x3FA0] =	sst lr;
	_ =	strace $0xD0000000  }
0x3: {  	_ = 	snop  }
0x4: {  	_ = 	snop  }
0x5: {  	_ = 	snop  }
0x6: {  	_ = 	snop  }
0x7: {  	_ = 	snop  }
__scs_overlays_trampoline_lowered:
0x8: {  	[smem:$0x3FAF] =	sst s0  }
0x9: {  	[smem:$0x3FB0] =	sst s1  }
0xa: {  	[smem:$0x3FB1] =	sst s2  }
0xb: {  	[smem:$0x3FB2] =	sst s3  }
0xc: {  	[smem:$0x3FB3] =	sst s4  }
0xd: {  	[smem:$0x3FB4] =	sst s5  }
0xe: {  	[smem:$0x3FB5] =	sst s6  }
0xf: {  	[smem:$0x3FB6] =	sst s7  }
0x10: {  	[smem:$0x3FB7] =	sst s8  }
0x11: {  	[smem:$0x3FB8] =	sst s9;
	s0 =	simm.s32 @!p0 $0x0  }
0x12: {  	s1 =	sld [smem:$0x3F9E];
	s0 =	simm.s32 @p0 $0x1  }
0x13: {  	[smem:$0x3FB9] =	sst s0;
	s0 =	simm.s32 @!p1 $0x0  }
0x14: {  	s2 =	sld [smem:$0x3F9D];
	s0 =	simm.s32 @p1 $0x1  }
0x15: {  	[smem:$0x3FBA] =	sst s0;
	s0 =	simm.s32 @!p2 $0x0  }
0x16: {  	s3 =	sld [smem:$0x3FDB];
	s0 =	simm.s32 @p2 $0x1  }
0x17: {  	s4 =	simm.s32 $0x1BF5;
	[smem:$0x3FBC] =	sst s0  }
0x18: {  	s0 =	sld [smem:$0x3F9F];
	_ =	swait.ge [sflag:s4], $0x0  }
0x19: {  	s7 =	sld [smem:$0x3FA0]  }
0x1a: {  	s8 =	sadd.s32 $0xFFFFE003, lr  }
0x1b: {  	s9 =	sadd.s32 $0xFFFFFEF7, lr;
	s5 =	simm.s32 $0xFFFFFFFF;
	p2 =	slt.u32 s8, $0xFFFFF086  }
0x1c: {  	p1 =	slt.u32 s9, $0xF7A;
	s5 =	simm.s32 @!p2 $0x0  }
0x1d: {  	s5 =	simm.s32 @p1 $0x1;
	p0 =	seq.s32 s7, s2  }
0x1e: {  	s7 =	smul.u32 @!p0 $0xF7A, s2;
	p2 =	seq.s32 @!p0 s5, $0x0  }
0x1f: {  	s9 =	smul.u32 $0xF7A, s1;
	s8 =	simm.s32 @!p0 $0x1BF5;
	p2 =	por !p2, p0  }
0x20: {  	[sflag:s8] =	ssyncset.s32 @!p0 $0xFFFFF086;
	s6 =	sadd.s32 @!p0 s3, s7;
	s7 =	simm.s32 @!p0 $0x108  }
0x21: {  	s3 =	sadd.s32 s3, s9;
	s6 =	sadd.s32 @!p0 $0x88, s6;
	s7 =	simm.s32 @p2 $0x1082  }
0x22: {  	[simem:s7], [sflag:s8] =	dma.local @!p0 [hbm:s6], $0xF7A  }
0x23: {  	s9 =	sor.u32 $0xD0000000, s2;
	s6 =	simm.s32 $0x108;
	_ =	swait.ge @!p0 [sflag:s8], $0x0  }
0x24: {  	s3 =	sadd.s32 $0x88, s3;
	s6 =	simm.s32 @!p1 $0x1082;
	[sflag:s4] =	ssyncset.s32 $0xFFFFF086  }
0x25: {  	[simem:s6], [sflag:s4] =	dma.local [hbm:s3], $0xF7A  }
0x26: {  	[smem:$0x3FA0] =	sst s1;
	(tag) =	ssettag s2;
	_ =	strace s9  }
0x27: {  	s1 =	sld [smem:$0x3FB0]  }
0x28: {  	s2 =	sld [smem:$0x3FB1]  }
0x29: {  	s4 =	sld [smem:$0x3FB3]  }
0x2a: {  	p0 =	seq.s32 s5, $0x0;
	s5 =	sld [smem:$0x3FB4]  }
0x2b: {  	s6 =	sld [smem:$0x3FB5]  }
0x2c: {  	s7 =	sld [smem:$0x3FB6]  }
0x2d: {  	s3 =	simm.s32 $0x108;
	s8 =	sld [smem:$0x3FB7]  }
0x2e: {  	s3 =	simm.s32 @!p0 $0x1082;
	s9 =	sld [smem:$0x3FB8]  }
0x2f: {  	lr =	sadd.s32 s0, s3;
	s0 =	sld [smem:$0x3FAF]  }
0x30: {  	s3 =	sld [smem:$0x3FB2]  }
0x31: {  	[smem:$0x3FBB] =	sst s10  }
0x32: {  	s10 =	sld [smem:$0x3FB9];
	_ =	sdelay $0x3  }
0x33: {  	p0 =	seq.s32 s10, $0x1;
	s10 =	sld [smem:$0x3FBB];
	_ =	sdelay $0x3  }
0x34: {  	[smem:$0x3FBB] =	sst s10  }
0x35: {  	s10 =	sld [smem:$0x3FBA];
	_ =	sdelay $0x3  }
0x36: {  	p1 =	seq.s32 s10, $0x1;
	s10 =	sld [smem:$0x3FBB];
	_ =	sdelay $0x3  }
0x37: {  	[smem:$0x3FBB] =	sst s10  }
0x38: {  	s10 =	sld [smem:$0x3FBC]  }
0x39: {  	_ = 	snop;
	(pc) =	sbr.ind lr, $3  }
0x3a: {  	_ = 	snop  }
0x3b: {  	_ = 	snop  }
0x3c: {  	p2 =	seq.s32 s10, $0x1;
	s10 =	sld [smem:$0x3FBB]  }
0x3d: {  	_ =	shalt  }
0x3e: {  	_ =	shalt  }
0x3f: {  	_ =	shalt  }
0x40: {  	_ =	shalt  }
0x41: {  	_ =	shalt  }
0x42: {  	_ =	shalt  }
0x43: {  	_ =	shalt  }
0x44: {  	_ =	shalt  }
0x45: {  	_ =	shalt  }
0x46: {  	_ =	shalt  }
0x47: {  	_ =	shalt  }
0x48: {  	_ =	shalt  }
0x49: {  	_ =	shalt  }
0x4a: {  	_ =	shalt  }
0x4b: {  	_ =	shalt  }
0x4c: {  	_ =	shalt  }
0x4d: {  	_ =	shalt  }
0x4e: {  	_ =	shalt  }
0x4f: {  	_ =	shalt  }
0x50: {  	_ =	shalt  }
0x51: {  	_ =	shalt  }
0x52: {  	_ =	shalt  }
0x53: {  	_ =	shalt  }
0x54: {  	_ =	shalt  }
0x55: {  	_ =	shalt  }
0x56: {  	_ =	shalt  }
0x57: {  	_ =	shalt  }
0x58: {  	_ =	shalt  }
0x59: {  	_ =	shalt  }
0x5a: {  	_ =	shalt  }
0x5b: {  	_ =	shalt  }
0x5c: {  	_ =	shalt  }
0x5d: {  	_ =	shalt  }
0x5e: {  	_ =	shalt  }
0x5f: {  	_ =	shalt  }
0x60: {  	_ =	shalt  }
0x61: {  	_ =	shalt  }
0x62: {  	_ =	shalt  }
0x63: {  	_ =	shalt  }
0x64: {  	_ =	shalt  }
0x65: {  	_ =	shalt  }
0x66: {  	_ =	shalt  }
0x67: {  	_ =	shalt  }
0x68: {  	_ =	shalt  }
0x69: {  	_ =	shalt  }
0x6a: {  	_ =	shalt  }
0x6b: {  	_ =	shalt  }
0x6c: {  	_ =	shalt  }
0x6d: {  	_ =	shalt  }
0x6e: {  	_ =	shalt  }
0x6f: {  	_ =	shalt  }
0x70: {  	_ =	shalt  }
0x71: {  	_ =	shalt  }
0x72: {  	_ =	shalt  }
0x73: {  	_ =	shalt  }
0x74: {  	_ =	shalt  }
0x75: {  	_ =	shalt  }
0x76: {  	_ =	shalt  }
0x77: {  	_ =	shalt  }
0x78: {  	_ =	shalt  }
0x79: {  	_ =	shalt  }
0x7a: {  	_ =	shalt  }
0x7b: {  	_ =	shalt  }
0x7c: {  	_ =	shalt  }
0x7d: {  	_ =	shalt  }
0x7e: {  	_ =	shalt  }
0x7f: {  	_ =	shalt  }
0x80: {  	_ =	shalt  }
0x81: {  	_ =	shalt  }
0x82: {  	_ =	shalt  }
0x83: {  	_ =	shalt  }
0x84: {  	_ =	shalt  }
0x85: {  	_ =	shalt  }
0x86: {  	_ =	shalt  }
0x87: {  	_ =	shalt  }
.Lfunc_end0:
.L_simem_size_0:
called_computation.1_lowered:
.L_overlay_start_0:
0x88: {  	s2 =	sld [smem:$0x3FD9]  }
0x89: {  	s3 =	sld [smem:$0x3FFE];
	_ =	sdelay $0x1  }
0x8a: {  	s1 =	srdreg.scid  }
0x8b: {  	s0 =	sand.u32 $0x1, s1  }
0x8c: {  	s17 =	sshll.u32 s0, $0xA;
	s2 =	sadd.s32 s3, s2  }
0x8d: {  	s2 =	sadd.s32 s2, s17  }
0x8e: {  	[smem:$0x3FC7] =	sst s2  }
0x8f: {  	_ = 	snop  }
0x90: {  	s2 =	sld [smem:$0x3FD0];
	(tm) =	ssettm $0x1  }
0x91: {  	s18 =	sld [smem:$0x3FFB];
	_ =	sdelay $0x3  }
0x92: {  	_ =	strace s18  }
0x93: {  	s3 =	sld [smem:$0x3FFC];
	_ =	sdelay $0x3  }
0x94: {  	_ =	strace s3  }
0x95: {  	s3 =	sld [smem:$0x3FFD];
	_ =	sdelay $0x3  }
0x96: {  	_ =	strace s3  }
0x97: {  	_ =	strace $0x8FFFFFFF  }
0x98: {  	s19 =	sld [smem:$0x3FDB];
	_ =	sdelay $0x1  }
0x99: {  	s4 =	simm.s32 $_scs_section_size  }
0x9a: {  	s5 =	simm.s32 $_size__tile_overlayer_lowered;
	s6 =	simm.s32 $_tile_overlayer_lowered  }
0x9b: {  	s22 =	simm.s32 $0x1BFF;
	s21 =	sshll.u32 s6, $0x1;
	s3 =	sadd.s32 s4, s19  }
0x9c: {  	s7 =	simm.s32 $0x0;
	s20 =	sshll.u32 s5, $0x1;
	s5 =	sadd.s32 s21, s3  }
0x9d: {  	[timem:s7], [sflag:s22] =	dma.local [hbm:s5], s20  }
0x9e: {  	_ =	swait.ge [sflag:s22], s20  }
0x9f: {  	s4 =	ssub.s32 $0x0, s20;
	[sflag:s22] =	ssyncset.done $0x0  }
0xa0: {  	[sflag:s22] =	ssyncadd.s32 s4;
	_ =	sdelay $0x1  }
0xa1: {  	s23 =	simm.s32 $0x1B8B  }
0xa2: {  	_ =	swait.ge [sflag:s23], $0x1  }
0xa3: {  	[sflag:s23] =	ssyncset.done $0x0  }
0xa4: {  	s25 =	simm.s32 $0x1B8E;
	s24 =	sld [smem:$0x3FFE];
	[sflag:s23] =	ssyncadd.s32 $0xFFFFFFFF  }
0xa5: {  	s26 =	simm.s32 $execute0_lowered;
	[smem:$0x3FD2] =	sst s25  }
0xa6: {  	s5 =	sshll.u32 s26, $0x1;
	_ =	strace $0x80000049;
	[dreg:$0x1] =	wrdreg $0xFFFFFFFF  }
0xa7: {  	s28 =	simm.s32 $_size_execute0_lowered;
	s3 =	sadd.s32 s3, s5;
	[dreg:$0x0] =	wrdreg $0x0  }
0xa8: {  	s5 =	sshll.u32 s28, $0x1;
	[dreg:$0x2] =	wrdreg s3  }
0xa9: {  	[dreg:$0x3] =	wrdreg s5  }
0xaa: {  	[dreg:$0x4] =	wrdreg $0xC0  }
0xab: {  	_ =	task [dreg:s7], $0x5FFFF  }
0xac: {  	[dreg:$0x1] =	wrdreg $0xFFFFFFFF  }
0xad: {  	[dreg:$0x0] =	wrdreg $0x60  }
0xae: {  	[dreg:$0x2] =	wrdreg s24  }
0xaf: {  	[dreg:$0x3] =	wrdreg s2  }
0xb0: {  	[dreg:$0x4] =	wrdreg $0x9  }
0xb1: {  	_ =	task.clear_ibuf [dreg:s7], $0x5FFFF;
	_ =	strace $0x90000049  }
0xb2: {  	s29 =	simm.s32 $0x9;
	_ =	strace $0x8000004B  }
0xb3: {  	_ =	swait.ge [sflag:s29], $0x1  }
0xb4: {  	[sflag:s29] =	ssyncadd.s32 $0xFFFFFFFF  }
0xb5: {  	_ =	strace $0x9000004B  }
0xb6: {  	_ =	sfence  }
0xb7: {  	s30 =	sld [smem:$0x0];
	_ =	sdelay $0x2  }
0xb8: {  	s31 =	sshll.u32 s1, $0xD;
	s1 =	sshrl.u32 s1, $0x2  }
0xb9: {  	s3 =	sand.u32 $0x4000, s31;
	s1 =	sadd.s32 s1, s30  }
0xba: {  	s0 =	sor.u32 s3, s0;
	s1 =	sshll.u32 s1, $0x11  }
0xbb: {  	s0 =	sor.u32 s1, s0  }
0xbc: {  	s0 =	sadd.s32 $0x8F2B, s0  }
0xbd: {  	[sflag:s0] =	ssyncadd.remote.s32 $0x1  }
0xbe: {  	_ =	sfence.sel $0xFFFF  }
0xbf: {  	[dreg:$0x0] =	wrdreg $0xFFFFFFFF;
	(pc) =	sbr.abs _section_cstart, $3  }
0xc0: {  	[dreg:$0x1] =	wrdreg $0xFFFFFFFF  }
0xc1: {  	_ =	task.clear_ibuf [dreg:s7], $0x2FFFF;
	_ =	strace $0x9FFFFFFF  }
0xc2: {  	(tm) =	ssettm $0x7FFFFFFF  }
0xc3: {  	_ =	shalt  }
tec
execute0_lowered:
.L_overlay_start_1:
0x0: {  	(tag) =	ssettag $0x1  }
0x1: {  	s6 =	rddreg [dreg:$0x0]  }
0x2: {  	s1 =	rddreg [dreg:$0x1]  }
0x3: {  	s2 =	simm.s32 $0x0;
	s3 =	srdreg.scid;
	s10 =	simm.s32 $0x8000  }
0x4: {  	s11 =	simm.s32 $0x0;
	[smem:$0x7FF] =	sst s2;
	s4 =	sand.u32 $0x1, s3  }
0x5: {  	s3 =	stileid.u32;
	_ =	strace $0x8000004A;
	s5 =	ssub.s32 $0x2, s4  }
0x6: {  	s8 =	sshll.u32 s4, $0x4;
	s4 =	sadd.s32 $0x800, s6;
	s7 =	sshrl.u32 s5, $0x1  }
0x7: {  	s6 =	sadd.s32 $0x80800, s6;
	s9 =	ssub.s32 s5, s7;
	s5 =	sor.u32 s3, s8  }
0x8: {  	s7 =	sshll.u32 s5, $0xE;
	s8 =	smax.u32 s9, $0x1;
	s9 =	simm.s32 $0x1  }
.LBB2_1:
0x9: {  	s12 =	simm.s32 $0x10000  }
0xa: {  	[tilespmem:s12], [sflag:$0x1] =	stream.linear.gather [hbm4b:s6+s2], $0x1000, $0x38;
	[tilespmem:$0x11000] =	vst v63  }
0xb: {  	_ =	swait.ge [sflag:s9], $0x1000  }
0xc: {  	[sflag:s9] =	ssyncset.done $0x0  }
0xd: {  	[sflag:s9] =	ssyncadd.s32 $0xFFFFF000  }
0xe: {  	v1 =	vld [tilespmem:s12+$0x0];
	_ =	sdelay $0x2  }
0xf: {  	p0 =	sgt.u32 s5, $0x0;
	s13 =	simm.s32 $0x1  }
0x10: {  	s13 =	simm.s32 @!p0 $0x0  }
0x11: {  	v0 =	vimm.s32 $0x0;
	s12 =	simm.s32 $0x1;
	v1 =	vmul.u32 s13, v1;
	s13 =	simm.s32 $0x10080  }
.LBB2_2:
0x12: {  	v2 =	vld [tilespmem:s13+$0x0];
	p0 =	sne.s32 s12, $0x1F;
	s14 =	smov.u32 s12;
	s12 =	sadd.s32 $0x1, s12  }
.Ltmp0:
0x13: {  	v0 =	vadd.s32 v0, v1;
	(pc) =	sbr.rel @p0 .LBB2_2-.Ltmp0, $4  }
0x14: {  	_ = 	snop  }
0x15: {  	p1 =	slt.u32 s14, s5;
	s14 =	simm.s32 $0x1  }
0x16: {  	s14 =	simm.s32 @!p1 $0x0  }
0x17: {  	s13 =	sadd.s32 $0x80, s13;
	v1 =	vmul.u32 s14, v2  }
0x18: {  	_ = 	snop  }
0x19: {  	v0 =	vadd.s32 v0, v1  }
0x1a: {  	(xrf0) =	vadd.scan.msk.s32 $0xffff, v0;
	_ =	sdelay $0x5  }
0x1b: {  	v0, _, _ =	vpop (xrf0)  }
0x1c: {  	(v2sf) =	vpush v0, $0xF;
	_ =	sdelay $0xe  }
0x1d: {  	s12 =	spop (v2sf)  }
0x1e: {  	s13 =	simm.s32 $0x0;
	s17 =	sadd.s32 $0xFFFFFFFF, s12;
	s12 =	simm.s32 $0x0  }
.LBB2_4:
0x1f: {  	s14 =	sshll.u32 s13, $0xC  }
0x20: {  	s14 =	sadd.s32 s7, s14  }
0x21: {  	s15 =	sadd.s32 s4, s14  }
0x22: {  	[tilespmem:s12], [sflag:$0x1] =	stream.linear.gather [hbm4b:s15+s12], $0x8000, $0x38;
	[tilespmem:$0x11000] =	vst v63  }
0x23: {  	_ =	swait.ge [sflag:s9], $0x8000  }
0x24: {  	[sflag:s9] =	ssyncset.done $0x0  }
0x25: {  	s16 =	simm.s32 $0x0;
	[sflag:s9] =	ssyncadd.s32 $0xFFFF8000  }
0x26: {  	v0 =	vld [tilespmem:s16+$0xF0]  }
0x27: {  	v1 =	vld [tilespmem:s16+$0xC0]  }
0x28: {  	v2 =	vld [tilespmem:s16+$0xE0]  }
0x29: {  	v3 =	vld [tilespmem:s16+$0xD0]  }
0x2a: {  	v4 =	vld [tilespmem:s16+$0x40]  }
0x2b: {  	v5 =	vld [tilespmem:s16+$0xA0]  }
0x2c: {  	v6 =	vld [tilespmem:s16+$0x60]  }
0x2d: {  	v7 =	vld [tilespmem:s16+$0x90]  }
0x2e: {  	v8 =	vld [tilespmem:s16+$0x30]  }
0x2f: {  	v9 =	vld [tilespmem:s16+$0x20]  }
0x30: {  	v10 =	vld [tilespmem:s16+$0x50]  }
0x31: {  	v11 =	vld [tilespmem:s16+$0x10]  }
0x32: {  	v12 =	vld [tilespmem:s16+$0x0];
	v3 =	vshll.u32 v3, $0x8  }
0x33: {  	v13 =	vld [tilespmem:s16+$0x80];
	v2 =	vshll.u32 v2, $0x10;
	v1 =	vadd.s32 v1, v3  }
0x34: {  	v0 =	vshll.u32 v0, $0x18;
	v6 =	vshll.u32 v6, $0x10;
	v3 =	vld [tilespmem:s16+$0x70];
	v1 =	vadd.s32 v2, v1  }
0x35: {  	v10 =	vshll.u32 v10, $0x8;
	v2 =	vld [tilespmem:s16+$0xB0];
	v0 =	vadd.s32 v0, v1;
	v1 =	vshll.u32 v5, $0x10  }
0x36: {  	v5 =	vshll.u32 v7, $0x8;
	v7 =	vshll.u32 v8, $0x18;
	v8 =	vshll.u32 v11, $0x8  }
0x37: {  	v9 =	vshll.u32 v9, $0x10;
	v4 =	vadd.s32 v4, v10;
	v8 =	vadd.s32 v12, v8  }
0x38: {  	v4 =	vadd.s32 v6, v4;
	v8 =	vadd.s32 v9, v8  }
0x39: {  	(xrf0) =	vadd.scan.msk.s32 $0xffff, v0;
	v5 =	vadd.s32 v13, v5;
	v3 =	vshll.u32 v3, $0x18;
	v0 =	vadd.s32 v7, v8  }
0x3a: {  	v1 =	vadd.s32 v1, v5;
	v2 =	vshll.u32 v2, $0x18;
	v3 =	vadd.s32 v3, v4;
	(xrf0) =	vadd.scan.msk.s32 $0xffff, v0  }
0x3b: {  	v0 =	vadd.s32 v2, v1;
	(xrf0) =	vadd.scan.msk.s32 $0xffff, v3  }
0x3c: {  	(xrf0) =	vadd.scan.msk.s32 $0xffff, v0;
	_ =	sdelay $0x1  }
0x3d: {  	s15 =	simm.s32 $0x100  }
0x3e: {  	v52 =	vld [tilespmem:s15+$0xD0];
	v2, _, _ =	vpop (xrf0)  }
0x3f: {  	v18 =	vld [tilespmem:s15+$0xB0];
	(v2sf) =	vpush v2, $0xF;
	v3, _, _ =	vpop (xrf0)  }
0x40: {  	v20 =	vld [tilespmem:s15+$0x80];
	(v2sf) =	vpush v3, $0xF;
	v4, _, _ =	vpop (xrf0)  }
0x41: {  	v21 =	vld [tilespmem:s15+$0xA0];
	(v2sf) =	vpush v4, $0xF;
	v5, _, _ =	vpop (xrf0)  }
0x42: {  	v22 =	vld [tilespmem:s15+$0x60];
	(v2sf) =	vpush v5, $0xF  }
0x43: {  	v24 =	vld [tilespmem:s15+$0x90]  }
0x44: {  	v10 =	vld [tilespmem:s15+$0xE0]  }
0x45: {  	v6 =	vld [tilespmem:s15+$0xF0]  }
0x46: {  	v8 =	vld [tilespmem:s15+$0xC0];
	v0 =	vand.u32 $0xFF, v3  }
0x47: {  	v19 =	vadd.s32 s17, v0  }
0x48: {  	v18 =	vshll.u32 v18, $0x18;
	v55 =	vshll.u32 v21, $0x10;
	vm0 =	vgt.s32 v19, $0x0  }
0x49: {  	v24 =	vshll.u32 v24, $0x8;
	v22 =	vshll.u32 v22, $0x10;
	v19 =	vnsel vm0, $0x0, v19  }
0x4a: {  	v58 =	vadd.s32 v20, v24;
	v13 =	vshll.u32 v52, $0x8;
	v19 =	vmin.u32 v19, $0x1FFFFF  }
0x4b: {  	v17 =	vld [tilespmem:s15+$0x40];
	v10 =	vshll.u32 v10, $0x10;
	v6 =	vshll.u32 v6, $0x18;
	v8 =	vadd.s32 v8, v13;
	[tilespmem:s16+$0x8000] =	vst v19  }
0x4c: {  	v14 =	vshrl.u32 v2, $0x8;
	v15 =	vshrl.u32 v2, $0x10;
	v8 =	vadd.s32 v10, v8;
	v53 =	vld [tilespmem:s15+$0x30]  }
0x4d: {  	v23 =	vshra.s32 v2, $0x18;
	v2 =	vand.u32 $0xFF, v2;
	v6 =	vadd.s32 v6, v8;
	v54 =	vld [tilespmem:s15+$0x20]  }
0x4e: {  	v8 =	vand.u32 $0xFF, v15;
	v16 =	vshrl.u32 v3, $0x8;
	v9 =	vshrl.u32 v3, $0x10;
	(xrf0) =	vadd.scan.msk.s32 $0xffff, v6;
	v6 =	vld [tilespmem:s15+$0x50];
	s18 =	spop (v2sf)  }
0x4f: {  	v3 =	vshra.s32 v3, $0x18;
	v1 =	vshrl.u32 v4, $0x8;
	v7 =	vshrl.u32 v4, $0x10;
	v25 =	vld [tilespmem:s15+$0x10];
	s22 =	smul.u32 $0x1010100, s18;
	s19 =	spop (v2sf)  }
0x50: {  	v0 =	vshra.s32 v4, $0x18;
	v9 =	vand.u32 $0xFF, v9;
	v4 =	vand.u32 $0xFF, v4;
	v26 =	vld [tilespmem:s15+$0x0];
	s20 =	smul.u32 $0x1010100, s19;
	s24 =	spop (v2sf)  }
0x51: {  	v16 =	vand.u32 $0xFF, v16;
	v11 =	vshrl.u32 v5, $0x8;
	v51 =	vshrl.u32 v5, $0x10;
	v19 =	vld [tilespmem:s15+$0x70];
	s21 =	smul.u32 $0x1010100, s24;
	s25 =	spop (v2sf)  }
0x52: {  	v1 =	vand.u32 $0xFF, v1;
	v7 =	vand.u32 $0xFF, v7;
	v56 =	vshra.s32 v5, $0x18;
	s19 =	sshra.s32 s19, $0x18;
	s23 =	sshra.s32 s20, $0x18;
	s26 =	smul.u32 $0x1010100, s25  }
0x53: {  	v5 =	vand.u32 $0xFF, v5;
	v12 =	vand.u32 $0xFF, v51;
	v11 =	vand.u32 $0xFF, v11;
	s24 =	sshra.s32 s24, $0x18;
	s25 =	sshra.s32 s25, $0x18;
	s23 =	sadd.s32 s17, s23  }
0x54: {  	v13 =	vshll.u32 v53, $0x18;
	v25 =	vshll.u32 v25, $0x8;
	s29 =	sshra.s32 s21, $0x18;
	v10 =	vadd.s32 s23, v3;
	s23 =	sadd.s32 s19, s23;
	s30 =	sshrl.u32 s26, $0x10  }
0x55: {  	v15 =	vshll.u32 v54, $0x10;
	v6 =	vshll.u32 v6, $0x8;
	v25 =	vadd.s32 v26, v25;
	s0 =	sshrl.u32 s26, $0x8;
	s26 =	sshra.s32 s26, $0x18;
	s19 =	sadd.s32 s23, s29  }
0x56: {  	v19 =	vshll.u32 v19, $0x18;
	v6 =	vadd.s32 v17, v6;
	v15 =	vadd.s32 v15, v25;
	s29 =	sand.u32 $0xFF, s0;
	s30 =	sand.u32 $0xFF, s30;
	s24 =	sadd.s32 s24, s19  }
0x57: {  	v6 =	vadd.s32 v22, v6;
	v13 =	vadd.s32 v13, v15;
	v5 =	vadd.s32 s24, v5;
	s29 =	sadd.s32 s24, s29;
	s30 =	sadd.s32 s24, s30;
	s24 =	sadd.s32 s24, s26  }
0x58: {  	v6 =	vadd.s32 v19, v6;
	s28 =	sshrl.u32 s22, $0x10;
	v3 =	vand.u32 $0xFF, v14;
	v21 =	vadd.s32 s24, v56;
	s24 =	sadd.s32 s25, s24  }
0x59: {  	s31 =	sand.u32 $0xFF, s28;
	v14 =	vadd.s32 v55, v58;
	v11 =	vadd.s32 s29, v11;
	s29 =	sshrl.u32 s22, $0x8;
	v27 =	vadd.s32 s24, v2;
	v2, _, _ =	vpop (xrf0)  }
0x5a: {  	v14 =	vadd.s32 v18, v14;
	v12 =	vadd.s32 s30, v12;
	s30 =	sand.u32 $0xFF, s29;
	s26 =	sadd.s32 s24, s31;
	(v2sf) =	vpush v2, $0xF  }
0x5b: {  	v62 =	vadd.s32 s23, v4;
	vm0 =	vgt.s32 v5, $0x0;
	s22 =	sshra.s32 s22, $0x18;
	s25 =	sadd.s32 s24, s30;
	v8 =	vadd.s32 s26, v8  }
0x5c: {  	vm1 =	vgt.s32 v21, $0x0;
	s22 =	sadd.s32 s24, s22;
	v3 =	vadd.s32 s25, v3;
	vm4 =	vgt.s32 v8, $0x0  }
0x5d: {  	(xrf0) =	vadd.scan.msk.s32 $0xffff, v13;
	s0 =	sshrl.u32 s20, $0x8;
	s20 =	sshrl.u32 s20, $0x10;
	v57 =	vadd.s32 s22, v23;
	vm2 =	vgt.s32 v3, $0x0;
	v8 =	vnsel vm4, $0x0, v8  }
0x5e: {  	(xrf0) =	vadd.scan.msk.s32 $0xffff, v6;
	s20 =	sand.u32 $0xFF, s20;
	v6 =	vmin.u32 v8, $0x1FFFFF;
	v8 =	vnsel vm1, $0x0, v21;
	vm1 =	vgt.s32 v27, $0x0  }
0x5f: {  	(xrf0) =	vadd.scan.msk.s32 $0xffff, v14;
	s26 =	sadd.s32 s17, s20;
	vm3 =	vgt.s32 v57, $0x0;
	v3 =	vnsel vm2, $0x0, v3;
	v60 =	vnsel vm1, $0x0, v27  }
0x60: {  	s24 =	sand.u32 $0xFF, s0;
	v9 =	vadd.s32 s26, v9;
	v3 =	vmin.u32 v3, $0x1FFFFF;
	[tilespmem:s16+$0x80E0] =	vst v6;
	v6 =	vmin.u32 v60, $0x1FFFFF  }
0x61: {  	s24 =	sadd.s32 s17, s24;
	v59 =	vnsel vm3, $0x0, v57;
	v8 =	vmin.u32 v8, $0x1FFFFF;
	[tilespmem:s16+$0x80D0] =	vst v3;
	v3 =	vnsel vm0, $0x0, v5  }
0x62: {  	v61 =	vadd.s32 s24, v16;
	vm1 =	vgt.s32 v11, $0x0;
	v3 =	vmin.u32 v3, $0x1FFFFF  }
0x63: {  	v13 =	vmin.u32 v59, $0x1FFFFF;
	vm2 =	vgt.s32 v12, $0x0;
	v5 =	vnsel vm1, $0x0, v11;
	[tilespmem:s16+$0x80C0] =	vst v6;
	v6, _, _ =	vpop (xrf0)  }
0x64: {  	v11 =	vnsel vm2, $0x0, v12;
	[tilespmem:s16+$0x80B0] =	vst v8;
	vm0 =	vgt.s32 v61, $0x0;
	(v2sf) =	vpush v6, $0xF;
	v8, _, _ =	vpop (xrf0)  }
0x65: {  	vm1 =	vgt.s32 v62, $0x0;
	v11 =	vmin.u32 v11, $0x1FFFFF;
	[tilespmem:s16+$0x8080] =	vst v3;
	(v2sf) =	vpush v8, $0xF;
	v3, _, _ =	vpop (xrf0)  }
0x66: {  	s25 =	sshrl.u32 s21, $0x10;
	v5 =	vmin.u32 v5, $0x1FFFFF;
	[tilespmem:s16+$0x80A0] =	vst v11;
	v11 =	vnsel vm0, $0x0, v61;
	(v2sf) =	vpush v3, $0xF  }
0x67: {  	s28 =	sshra.s32 s18, $0x18;
	s24 =	sand.u32 $0xFF, s25;
	[tilespmem:s16+$0x80F0] =	vst v13;
	v63 =	vnsel vm1, $0x0, v62;
	vm0 =	vgt.s32 v9, $0x0;
	v11 =	vmin.u32 v11, $0x1FFFFF  }
0x68: {  	s29 =	sshrl.u32 s21, $0x8;
	s20 =	simm.s32 $0x800;
	s30 =	sadd.s32 s23, s24;
	v12 =	vmin.u32 v63, $0x1FFFFF;
	[tilespmem:s16+$0x8010] =	vst v11;
	v11 =	vnsel vm0, $0x0, v9;
	vm0 =	vgt.s32 v10, $0x0  }
0x69: {  	s22 =	sadd.s32 s28, s22;
	s31 =	sand.u32 $0xFF, s29;
	[tilespmem:s16+$0x8090] =	vst v5;
	v9 =	vadd.s32 s30, v7;
	v7 =	vmin.u32 v11, $0x1FFFFF;
	v10 =	vnsel vm0, $0x0, v10;
	s18 =	spop (v2sf)  }
0x6a: {  	s17 =	smov.u32 s22;
	s25 =	sadd.s32 s23, s31;
	[tilespmem:s16+$0x8040] =	vst v12;
	vm0 =	vgt.s32 v9, $0x0;
	v4 =	vshrl.u32 v3, $0x8;
	v5 =	vshrl.u32 v3, $0x10;
	s21 =	smul.u32 $0x1010100, s18  }
.LBB2_5:
0x6b: {  	s23 =	sshra.s32 s20, $0x2;
	p0 =	sne.s32 s20, $0x1FC00;
	s20 =	sadd.s32 $0x400, s20;
	v13 =	vshrl.u32 v2, $0x8;
	v1 =	vadd.s32 s25, v1;
	v0 =	vadd.s32 s19, v0  }
0x6c: {  	v14 =	vshrl.u32 v2, $0x10;
	v11 =	vld [tilespmem:s23+$0xF0];
	vm1 =	vgt.s32 v1, $0x0;
	vm2 =	vgt.s32 v0, $0x0  }
0x6d: {  	v9 =	vnsel vm0, $0x0, v9;
	v12 =	vld [tilespmem:s23+$0xC0];
	v1 =	vnsel vm1, $0x0, v1;
	v0 =	vnsel vm2, $0x0, v0  }
0x6e: {  	v9 =	vmin.u32 v9, $0x1FFFFF;
	v15 =	vld [tilespmem:s23+$0xE0];
	[tilespmem:s16+$0x8020] =	vst v7;
	v7 =	vmin.u32 v10, $0x1FFFFF;
	v10 =	vmin.u32 v0, $0x1FFFFF  }
0x6f: {  	v17 =	vshrl.u32 v6, $0x8;
	v18 =	vshrl.u32 v6, $0x10;
	v0 =	vmin.u32 v1, $0x1FFFFF;
	v16 =	vld [tilespmem:s23+$0xD0];
	[tilespmem:s16+$0x8030] =	vst v7  }
0x70: {  	v20 =	vshrl.u32 v8, $0x10;
	v1 =	vand.u32 $0xFF, v6;
	v7 =	vshrl.u32 v8, $0x8;
	v19 =	vld [tilespmem:s23+$0x40];
	[tilespmem:s16+$0x8050] =	vst v0  }
0x71: {  	v22 =	vadd.s32 s22, v1;
	v0 =	vshra.s32 v8, $0x18;
	v21 =	vld [tilespmem:s23+$0xB0];
	[tilespmem:s16+$0x8070] =	vst v10  }
0x72: {  	vm0 =	vgt.s32 v22, $0x0;
	v1 =	vand.u32 $0xFF, v7;
	v7 =	vand.u32 $0xFF, v20;
	v23 =	vld [tilespmem:s23+$0x80];
	[tilespmem:s16+$0x8060] =	vst v9;
	s16 =	smov.u32 s15;
	s15 =	smov.u32 s23  }
0x73: {  	v10 =	vshll.u32 v11, $0x18;
	v11 =	vnsel vm0, $0x0, v22;
	v9 =	vand.u32 $0xFF, v18;
	v20 =	vld [tilespmem:s15+$0xA0];
	s19 =	spop (v2sf)  }
0x74: {  	v22 =	vshra.s32 v2, $0x18;
	v11 =	vmin.u32 v11, $0x1FFFFF;
	v18 =	vld [tilespmem:s15+$0x60];
	v16 =	vshll.u32 v16, $0x8;
	s26 =	smul.u32 $0x1010100, s19;
	s29 =	spop (v2sf)  }
0x75: {  	s28 =	sshrl.u32 s21, $0x10;
	v15 =	vshll.u32 v15, $0x10;
	v24 =	vld [tilespmem:s15+$0x90];
	v12 =	vadd.s32 v12, v16;
	[tilespmem:s16+$0x8000] =	vst v11;
	s25 =	smul.u32 $0x1010100, s29;
	v11 =	vand.u32 $0xFF, v8;
	s30 =	spop (v2sf)  }
0x76: {  	v8 =	vld [tilespmem:s15+$0x30];
	v16 =	vshll.u32 v21, $0x18;
	v15 =	vadd.s32 v15, v12;
	v12 =	vand.u32 $0xFF, v17;
	s23 =	sshrl.u32 s26, $0x8;
	s24 =	sshra.s32 s26, $0x18;
	s31 =	smul.u32 $0x1010100, s30  }
0x77: {  	v14 =	vand.u32 $0xFF, v14;
	v6 =	vshra.s32 v6, $0x18;
	s19 =	sshra.s32 s19, $0x18;
	v17 =	vld [tilespmem:s15+$0x70];
	v10 =	vadd.s32 v10, v15;
	s22 =	sadd.s32 s22, s24;
	s0 =	sshra.s32 s25, $0x18  }
0x78: {  	v13 =	vand.u32 $0xFF, v13;
	s24 =	sand.u32 $0xFF, s23;
	v15 =	vld [tilespmem:s15+$0x20];
	(xrf0) =	vadd.scan.msk.s32 $0xffff, v10;
	v10 =	vadd.s32 s22, v6;
	s23 =	sadd.s32 s19, s22;
	s22 =	sshrl.u32 s31, $0x10;
	v6 =	vand.u32 $0xFF, v2  }
0x79: {  	v5 =	vand.u32 $0xFF, v5;
	v21 =	vshra.s32 v3, $0x18;
	v20 =	vshll.u32 v20, $0x10;
	v2 =	vld [tilespmem:s15+$0x50];
	s19 =	sadd.s32 s23, s0;
	s0 =	sshra.s32 s29, $0x18;
	s29 =	sshrl.u32 s31, $0x8  }
0x7a: {  	v4 =	vand.u32 $0xFF, v4;
	v3 =	vand.u32 $0xFF, v3;
	s22 =	sand.u32 $0xFF, s22;
	v25 =	vld [tilespmem:s15+$0x10];
	v24 =	vshll.u32 v24, $0x8;
	s0 =	sadd.s32 s0, s19;
	s29 =	sand.u32 $0xFF, s29  }
0x7b: {  	v18 =	vshll.u32 v18, $0x10;
	s31 =	sshra.s32 s31, $0x18;
	v26 =	vld [tilespmem:s15+$0x0];
	v8 =	vshll.u32 v8, $0x18;
	v3 =	vadd.s32 s0, v3;
	s29 =	sadd.s32 s0, s29;
	s22 =	sadd.s32 s0, s22  }
0x7c: {  	s0 =	sadd.s32 s0, s31;
	v17 =	vshll.u32 v17, $0x18;
	v4 =	vadd.s32 s29, v4;
	v5 =	vadd.s32 s22, v5;
	s22 =	sshra.s32 s30, $0x18;
	s29 =	sshrl.u32 s21, $0x8  }
0x7d: {  	s28 =	sand.u32 $0xFF, s28;
	v21 =	vadd.s32 s0, v21;
	vm0 =	vgt.s32 v3, $0x0;
	v15 =	vshll.u32 v15, $0x10;
	s0 =	sadd.s32 s22, s0;
	s22 =	sand.u32 $0xFF, s29  }
0x7e: {  	s21 =	sshra.s32 s21, $0x18;
	vm1 =	vgt.s32 v21, $0x0;
	v27 =	vshll.u32 v2, $0x8;
	v2, _, _ =	vpop (xrf0);
	v6 =	vadd.s32 s0, v6;
	s22 =	sadd.s32 s0, s22;
	s28 =	sadd.s32 s0, s28  }
0x7f: {  	s26 =	sshrl.u32 s26, $0x10;
	s0 =	sadd.s32 s0, s21;
	s21 =	sshra.s32 s18, $0x18;
	v25 =	vshll.u32 v25, $0x8;
	v13 =	vadd.s32 s22, v13;
	v14 =	vadd.s32 s28, v14  }
0x80: {  	s18 =	sand.u32 $0xFF, s26;
	s26 =	sshrl.u32 s25, $0x10;
	s22 =	sadd.s32 s21, s0;
	v25 =	vadd.s32 v26, v25;
	(v2sf) =	vpush v2, $0xF;
	vm2 =	vgt.s32 v13, $0x0  }
0x81: {  	v19 =	vadd.s32 v19, v27;
	s21 =	sshrl.u32 s25, $0x8;
	s25 =	sand.u32 $0xFF, s26;
	v22 =	vadd.s32 s0, v22;
	v15 =	vadd.s32 v15, v25  }
0x82: {  	s0 =	sand.u32 $0xFF, s21;
	s26 =	sadd.s32 s23, s25;
	vm3 =	vgt.s32 v22, $0x0;
	v8 =	vadd.s32 v8, v15;
	v15 =	vadd.s32 v18, v19  }
0x83: {  	vm4 =	vgt.s32 v14, $0x0;
	s25 =	sadd.s32 s23, s0;
	v15 =	vadd.s32 v17, v15;
	v17 =	vadd.s32 v23, v24  }
0x84: {  	v17 =	vadd.s32 v20, v17;
	(xrf0) =	vadd.scan.msk.s32 $0xffff, v8;
	v8 =	vnsel vm4, $0x0, v14;
	v14 =	vnsel vm3, $0x0, v22  }
0x85: {  	v16 =	vadd.s32 v16, v17;
	(xrf0) =	vadd.scan.msk.s32 $0xffff, v15;
	v8 =	vmin.u32 v8, $0x1FFFFF;
	v14 =	vmin.u32 v14, $0x1FFFFF  }
0x86: {  	v13 =	vnsel vm2, $0x0, v13;
	v15 =	vnsel vm1, $0x0, v21;
	vm1 =	vgt.s32 v6, $0x0;
	(xrf0) =	vadd.scan.msk.s32 $0xffff, v16  }
0x87: {  	v13 =	vmin.u32 v13, $0x1FFFFF;
	v15 =	vmin.u32 v15, $0x1FFFFF;
	v6 =	vnsel vm1, $0x0, v6;
	[tilespmem:s16+$0x80E0] =	vst v8  }
0x88: {  	vm2 =	vgt.s32 v5, $0x0;
	vm1 =	vgt.s32 v4, $0x0;
	v8 =	vmin.u32 v6, $0x1FFFFF;
	[tilespmem:s16+$0x80D0] =	vst v13  }
0x89: {  	v3 =	vnsel vm0, $0x0, v3;
	v5 =	vnsel vm2, $0x0, v5;
	v4 =	vnsel vm1, $0x0, v4;
	[tilespmem:s16+$0x80C0] =	vst v8  }
0x8a: {  	s0 =	sadd.s32 s17, s24;
	v16 =	vmin.u32 v3, $0x1FFFFF;
	v4 =	vmin.u32 v4, $0x1FFFFF;
	v13 =	vmin.u32 v5, $0x1FFFFF;
	v6, _, _ =	vpop (xrf0);
	[tilespmem:s16+$0x80B0] =	vst v15  }
0x8b: {  	v11 =	vadd.s32 s23, v11;
	v12 =	vadd.s32 s0, v12;
	(v2sf) =	vpush v6, $0xF;
	v8, _, _ =	vpop (xrf0);
	[tilespmem:s16+$0x8080] =	vst v16  }
0x8c: {  	vm0 =	vgt.s32 v12, $0x0;
	vm1 =	vgt.s32 v11, $0x0;
	(v2sf) =	vpush v8, $0xF;
	v3, _, _ =	vpop (xrf0);
	[tilespmem:s16+$0x8090] =	vst v4  }
.Ltmp1:
0x8d: {  	s0 =	sadd.s32 s17, s18;
	s17 =	smov.u32 s22;
	v4 =	vshrl.u32 v3, $0x8;
	v5 =	vshrl.u32 v3, $0x10;
	(v2sf) =	vpush v3, $0xF;
	[tilespmem:s16+$0x80A0] =	vst v13;
	(pc) =	sbr.rel @p0 .LBB2_5-.Ltmp1, $4  }
0x8e: {  	v9 =	vadd.s32 s0, v9;
	v12 =	vnsel vm0, $0x0, v12;
	v11 =	vnsel vm1, $0x0, v11;
	[tilespmem:s16+$0x80F0] =	vst v14  }
0x8f: {  	vm0 =	vgt.s32 v9, $0x0;
	v12 =	vmin.u32 v12, $0x1FFFFF;
	v11 =	vmin.u32 v11, $0x1FFFFF;
	s18 =	spop (v2sf)  }
0x90: {  	s21 =	smul.u32 $0x1010100, s18;
	[tilespmem:s16+$0x8010] =	vst v12;
	v12 =	vnsel vm0, $0x0, v9;
	vm0 =	vgt.s32 v10, $0x0;
	v9 =	vadd.s32 s26, v7  }
0x91: {  	v7 =	vmin.u32 v12, $0x1FFFFF;
	v10 =	vnsel vm0, $0x0, v10;
	[tilespmem:s16+$0x8040] =	vst v11;
	vm0 =	vgt.s32 v9, $0x0  }
0x92: {  	_ = 	snop  }
0x93: {  	v1 =	vadd.s32 s25, v1  }
0x94: {  	v11 =	vshrl.u32 v2, $0x8;
	v0 =	vadd.s32 s19, v0;
	v12 =	vshrl.u32 v2, $0x10  }
0x95: {  	v9 =	vnsel vm0, $0x0, v9;
	v10 =	vmin.u32 v10, $0x1FFFFF;
	v13 =	vshrl.u32 v6, $0x8  }
0x96: {  	v14 =	vshrl.u32 v6, $0x10;
	v15 =	vand.u32 $0xFF, v6;
	v16 =	vshrl.u32 v8, $0x8  }
0x97: {  	v17 =	vshrl.u32 v8, $0x10;
	v18 =	vshra.s32 v8, $0x18;
	v36 =	vshra.s32 v6, $0x18  }
0x98: {  	v19 =	vshra.s32 v2, $0x18;
	v37 =	vand.u32 $0xFF, v8;
	v38 =	vand.u32 $0xFF, v2  }
0x99: {  	v5 =	vand.u32 $0xFF, v5;
	v20 =	vand.u32 $0xFF, v3;
	v4 =	vand.u32 $0xFF, v4  }
0x9a: {  	v39 =	vshra.s32 v3, $0x18;
	vm1 =	vgt.s32 v1, $0x0;
	vm2 =	vgt.s32 v0, $0x0;
	s0 =	spop (v2sf)  }
0x9b: {  	v9 =	vmin.u32 v9, $0x1FFFFF;
	v15 =	vadd.s32 s22, v15;
	v16 =	vand.u32 $0xFF, v16;
	s23 =	smul.u32 $0x1010100, s0;
	s24 =	spop (v2sf)  }
0x9c: {  	v17 =	vand.u32 $0xFF, v17;
	v14 =	vand.u32 $0xFF, v14;
	v13 =	vand.u32 $0xFF, v13;
	s20 =	smul.u32 $0x1010100, s24;
	s25 =	spop (v2sf)  }
0x9d: {  	v12 =	vand.u32 $0xFF, v12;
	v11 =	vand.u32 $0xFF, v11;
	v0 =	vnsel vm2, $0x0, v0;
	s0 =	sshra.s32 s0, $0x18;
	s29 =	sshra.s32 s23, $0x18;
	s26 =	smul.u32 $0x1010100, s25  }
0x9e: {  	v1 =	vnsel vm1, $0x0, v1;
	vm12 =	vgt.s32 v15, $0x0;
	v0 =	vmin.u32 v0, $0x1FFFFF;
	s24 =	sshra.s32 s24, $0x18;
	s25 =	sshra.s32 s25, $0x18;
	s19 =	sadd.s32 s22, s29  }
0x9f: {  	v1 =	vmin.u32 v1, $0x1FFFFF;
	v15 =	vnsel vm12, $0x0, v15;
	s29 =	sshra.s32 s20, $0x18;
	s22 =	sadd.s32 s0, s19;
	s30 =	sshrl.u32 s26, $0x10;
	v6 =	vadd.s32 s19, v36  }
0xa0: {  	v15 =	vmin.u32 v15, $0x1FFFFF;
	s31 =	sshrl.u32 s26, $0x8;
	s26 =	sshra.s32 s26, $0x18;
	s19 =	sadd.s32 s22, s29;
	v53 =	vadd.s32 s22, v37;
	vm12 =	vgt.s32 v6, $0x0  }
0xa1: {  	[tilespmem:s16+$0x8020] =	vst v7;
	s29 =	sand.u32 $0xFF, s31;
	s0 =	sand.u32 $0xFF, s30;
	s24 =	sadd.s32 s24, s19;
	vm10 =	vgt.s32 v53, $0x0;
	v59 =	vnsel vm12, $0x0, v6;
	v60 =	vadd.s32 s19, v18  }
0xa2: {  	[tilespmem:s16+$0x8030] =	vst v10;
	s26 =	sadd.s32 s24, s26;
	s29 =	sadd.s32 s24, s29;
	v20 =	vadd.s32 s24, v20;
	s0 =	sadd.s32 s24, s0;
	v56 =	vnsel vm10, $0x0, v53;
	v61 =	vmin.u32 v59, $0x1FFFFF  }
0xa3: {  	s28 =	sshrl.u32 s21, $0x10;
	[tilespmem:s16+$0x8060] =	vst v9;
	s31 =	sshrl.u32 s21, $0x8;
	s25 =	sadd.s32 s25, s26;
	v4 =	vadd.s32 s29, v4;
	v5 =	vadd.s32 s0, v5;
	v3 =	vadd.s32 s26, v39  }
0xa4: {  	s28 =	sand.u32 $0xFF, s28;
	[tilespmem:s16+$0x8050] =	vst v1;
	s30 =	sshra.s32 s21, $0x18;
	vm13 =	vgt.s32 v20, $0x0;
	s0 =	sand.u32 $0xFF, s31;
	vm15 =	vgt.s32 v3, $0x0;
	v43 =	vadd.s32 s25, v38  }
0xa5: {  	[tilespmem:s16+$0x8070] =	vst v0;
	s29 =	sadd.s32 s25, s28;
	s21 =	sadd.s32 s25, s30;
	s0 =	sadd.s32 s25, s0;
	vm7 =	vgt.s32 v4, $0x0;
	vm8 =	vgt.s32 v5, $0x0;
	v46 =	vnsel vm13, $0x0, v20  }
0xa6: {  	[tilespmem:s15+$0x8000] =	vst v15;
	v40 =	vadd.s32 s29, v12;
	v41 =	vadd.s32 s21, v19;
	v44 =	vadd.s32 s0, v11  }
0xa7: {  	[tilespmem:s15+$0x8030] =	vst v61;
	v3 =	vnsel vm15, $0x0, v3;
	vm6 =	vgt.s32 v43, $0x0;
	v49 =	vmin.u32 v46, $0x1FFFFF  }
0xa8: {  	v47 =	vnsel vm7, $0x0, v4;
	v48 =	vnsel vm8, $0x0, v5;
	v3 =	vmin.u32 v3, $0x1FFFFF;
	[tilespmem:s15+$0x8080] =	vst v49  }
0xa9: {  	s16 =	sshrl.u32 s23, $0x8;
	vm14 =	vgt.s32 v40, $0x0;
	vm4 =	vgt.s32 v41, $0x0;
	v50 =	vmin.u32 v47, $0x1FFFFF;
	[tilespmem:s15+$0x80B0] =	vst v3  }
0xaa: {  	s23 =	sshrl.u32 s23, $0x10;
	s26 =	sshrl.u32 s20, $0x8;
	s0 =	sand.u32 $0xFF, s16;
	vm5 =	vgt.s32 v44, $0x0;
	v0 =	vnsel vm6, $0x0, v43;
	v52 =	vmin.u32 v48, $0x1FFFFF;
	[tilespmem:s15+$0x8090] =	vst v50  }
0xab: {  	s16 =	sand.u32 $0xFF, s23;
	s29 =	sand.u32 $0xFF, s26;
	s0 =	sadd.s32 s17, s0;
	v42 =	vnsel vm14, $0x0, v40;
	v45 =	vnsel vm4, $0x0, v41;
	v0 =	vmin.u32 v0, $0x1FFFFF;
	[tilespmem:s15+$0x80A0] =	vst v52  }
0xac: {  	s24 =	sadd.s32 s17, s16;
	s16 =	sadd.s32 s22, s29;
	v2 =	vnsel vm5, $0x0, v44;
	v51 =	vadd.s32 s0, v13;
	v1 =	vmin.u32 v42, $0x1FFFFF;
	[tilespmem:s15+$0x80C0] =	vst v0  }
0xad: {  	v54 =	vadd.s32 s24, v14;
	v58 =	vadd.s32 s16, v16;
	v2 =	vmin.u32 v2, $0x1FFFFF;
	[tilespmem:s15+$0x80E0] =	vst v1  }
0xae: {  	s25 =	sshrl.u32 s20, $0x10;
	vm14 =	vgt.s32 v60, $0x0;
	v7 =	vmin.u32 v45, $0x1FFFFF;
	vm9 =	vgt.s32 v51, $0x0;
	[tilespmem:s15+$0x80D0] =	vst v2  }
0xaf: {  	s28 =	sand.u32 $0xFF, s25;
	vm11 =	vgt.s32 v54, $0x0;
	v55 =	vnsel vm9, $0x0, v51;
	[tilespmem:s15+$0x80F0] =	vst v7;
	v2 =	vmin.u32 v56, $0x1FFFFF  }
0xb0: {  	s0 =	sadd.s32 s22, s28;
	vm13 =	vgt.s32 v58, $0x0;
	v0 =	vnsel vm11, $0x0, v54;
	v1 =	vmin.u32 v55, $0x1FFFFF;
	[tilespmem:s15+$0x8040] =	vst v2  }
0xb1: {  	v57 =	vadd.s32 s0, v17;
	v3 =	vnsel vm13, $0x0, v58;
	v0 =	vmin.u32 v0, $0x1FFFFF;
	[tilespmem:s15+$0x8010] =	vst v1  }
0xb2: {  	vm15 =	vgt.s32 v57, $0x0;
	v2 =	vnsel vm14, $0x0, v60;
	v62 =	vmin.u32 v3, $0x1FFFFF;
	[tilespmem:s15+$0x8020] =	vst v0  }
0xb3: {  	s13 =	sadd.s32 $0x1, s13;
	v1 =	vnsel vm15, $0x0, v57;
	v2 =	vmin.u32 v2, $0x1FFFFF;
	[tilespmem:s15+$0x8050] =	vst v62  }
0xb4: {  	p0 =	sne.s32 s13, $0x4;
	v63 =	vmin.u32 v1, $0x1FFFFF;
	[tilespmem:s15+$0x8070] =	vst v2  }
.Ltmp2:
0xb5: {  	s30 =	sadd.s32 s1, s14;
	[tilespmem:s15+$0x8060] =	vst v63;
	(pc) =	sbr.rel @p0 .LBB2_4-.Ltmp2, $4  }
0xb6: {  	[hbm4b:s30+s2] =	stream.linear.scatter [tilespmem:s10], [sflag:$0x1], $0x8000, $0x38;
	[tilespmem:$0x11000] =	vst v63  }
0xb7: {  	_ =	swait.ge [sflag:s9], $0x8000  }
0xb8: {  	s31 =	sshra.s32 s18, $0x18;
	[sflag:s9] =	ssyncset.done $0x0  }
0xb9: {  	s17 =	sadd.s32 s31, s21;
	[sflag:s9] =	ssyncadd.s32 $0xFFFF8000  }
0xba: {  	s11 =	sadd.s32 $0x1, s11  }
0xbb: {  	p0 =	sne.s32 s11, s8  }
.Ltmp3:
0xbc: {  	_ = 	snop;
	(pc) =	sbr.rel @p0 .LBB2_1-.Ltmp3, $1  }
0xbd: {  	_ =	sdelay $0x3  }
0xbe: {  	_ =	sfence.sel $0x180000  }
0xbf: {  	[bflag:$0x0] =	sbarrier.arrive $0xFFFF  }
0xc0: {  	_ =	strace $0x9000004A  }
0xc1: {  	[bflag:$0x2] =	sbarrier.arrive $0xFFFF  }
0xc2: {  	p0 =	sne.s32 s3, $0x0;
	s0 =	rddreg [dreg:$0x2]  }
0xc3: {  	s0 =	sadd.s32 @!p0 $0x100000, s0  }
0xc4: {  	[sflag:s0] =	ssyncadd.tile.s32 @!p0 $0x1;
	_ =	shalt  }
.Lfunc_end2:
_tile_overlayer_lowered:
.L_overlay_start_2:
0xc5: {  	(tag) =	ssettag $0x2  }
0xc6: {  	s0 =	rddreg [dreg:$0x0];
	s2 =	stileid.u32  }
0xc7: {  	s1 =	rddreg [dreg:$0x1];
	p0 =	sne.s32 s2, $0x0  }
0xc8: {  	s3 =	rddreg [dreg:$0x2];
	[bflag:$0x3] =	sbarrier.arrive $0xFFFF;
	s2 =	simm.s32 @!p0 $0x1C01  }
0xc9: {  	[timem:s3], [sflag:s2] =	dma.local @!p0 [hbm:s0], s1  }
0xca: {  	s0 =	simm.s32 @!p0 $0x1  }
0xcb: {  	_ =	swait.ge @!p0 [sflag:s0], s1  }
0xcc: {  	s1 =	ssub.s32 @!p0 $0x0, s1;
	[sflag:s0] =	ssyncset.done @!p0 $0x0  }
0xcd: {  	[sflag:s0] =	ssyncadd.s32 @!p0 s1  }
0xce: {  	[bflag:$0x3] =	sbarrier.arrive $0xFFFF  }
0xcf: {  	_ =	shalt  }

</sc_bundles>
